<compile_context>
chip_gen: v7x
topology: tpu7x:2x2x1
jax: 0.10.2.dev20260603
libtpu: 0.0.44.dev20260713+nightly
codegen_flags: <defaults>
</compile_context>

<pallas_src>
import functools

import jax
import jax.numpy as jnp
from jax import lax
from jax.experimental import pallas as pl
from jax.experimental.pallas import tpu as pltpu
from jax.experimental.pallas import tpu_sc as plsc

NC = 2
NS = 16
NW = NC * NS
IDXW = 128
NBUF = 5


def _sc_gather(target_input, context, ni_flat, sidx2d, tw, cw):
    B = target_input.shape[0]
    V, D = tw.shape
    NEG = ni_flat.size // B
    BPW = B // NW
    NPC = BPW // IDXW
    NNP = BPW * NEG // IDXW
    B_SC = B // NC
    f32 = jnp.float32

    mesh = plsc.VectorSubcoreMesh(core_axis_name="c", subcore_axis_name="s")
    out_types = (jax.ShapeDtypeStruct((B, D), f32),) * 3

    @functools.partial(
        pl.kernel,
        mesh=mesh,
        out_type=out_types,
        compiler_params=pltpu.CompilerParams(use_tc_tiling_on_sc=False),
        scratch_types=[
            pltpu.VMEM((BPW,), jnp.int32),
            pltpu.VMEM((BPW,), jnp.int32),
            pltpu.VMEM((BPW * NEG,), jnp.int32),
            pltpu.VMEM((NNP, IDXW), jnp.int32),
            pltpu.VMEM((IDXW, D), f32),
            pltpu.VMEM((IDXW, D), f32),
            pltpu.VMEM((NBUF * IDXW, D), f32),
            pltpu.VMEM((IDXW, D), f32),
            pltpu.VMEM_SHARED((B_SC, D), f32),
        ]
        + [pltpu.SemaphoreType.DMA] * (2 * NBUF),
    )
    def sc_part(
        ti_hbm, ci_hbm, ni_hbm, si_hbm, tw_hbm, cw_hbm,
        v_hbm, u_hbm, ns_hbm,
        ti_v, ci_v, ni_v, si_v, vrows, urows, nrows, zbuf, sh_ns, *sems,
    ):
        gsem, ssem = sems[:NBUF], sems[NBUF:]
        s = lax.axis_index("s")
        c = lax.axis_index("c")
        wid = s * NC + c
        base = wid * BPW

        @pl.loop(0, IDXW)
        def _(r):
            for ch in range(D // 16):
                zbuf[r, pl.ds(ch * 16, 16)] = jnp.zeros((16,), f32)

        @pl.loop(0, NPC)
        def _(p):
            pltpu.sync_copy(zbuf, sh_ns.at[pl.ds(s * BPW + p * IDXW, IDXW)])

        pltpu.sync_copy(ti_hbm.at[pl.ds(base, BPW)], ti_v)
        pltpu.sync_copy(ci_hbm.at[pl.ds(base, BPW)], ci_v)
        pltpu.sync_copy(ni_hbm.at[pl.ds(base * NEG, BPW * NEG)], ni_v)
        pltpu.sync_copy(si_hbm.at[pl.ds(wid * NNP, NNP)], si_v)

        @pl.loop(0, NPC)
        def _(j):
            pltpu.sync_copy(tw_hbm.at[ti_v.at[pl.ds(j * IDXW, IDXW)]], vrows)
            pltpu.sync_copy(vrows, v_hbm.at[pl.ds(base + j * IDXW, IDXW)])
            pltpu.sync_copy(cw_hbm.at[ci_v.at[pl.ds(j * IDXW, IDXW)]], urows)
            pltpu.sync_copy(urows, u_hbm.at[pl.ds(base + j * IDXW, IDXW)])

        @pl.loop(0, NNP, step=NBUF)
        def _(g):
            gh = []
            for b in range(NBUF):
                dst = nrows.at[pl.ds(b * IDXW, IDXW)]
                src = cw_hbm.at[ni_v.at[pl.ds((g + b) * IDXW, IDXW)]]
                gh.append(pltpu.async_copy(src, dst, gsem[b]))
            sh = []
            for b in range(NBUF):
                gh[b].wait()
                src = nrows.at[pl.ds(b * IDXW, IDXW)]
                sh.append(pltpu.async_copy(src, sh_ns.at[si_v.at[g + b]],
                                           ssem[b], add=True))
            for b in range(NBUF):
                sh[b].wait()

        @pl.loop(0, NPC)
        def _(p):
            pltpu.sync_copy(
                sh_ns.at[pl.ds(s * BPW + p * IDXW, IDXW)],
                ns_hbm.at[pl.ds(base + p * IDXW, IDXW)],
            )

    return sc_part(target_input, context, ni_flat, sidx2d, tw, cw)


def _tc_loss(v, u, ns):
    B, D = v.shape
    TB = 2048

    def body(v_ref, u_ref, ns_ref, o_ref):
        vv = v_ref[...]
        sp = jnp.sum(u_ref[...] * vv, axis=1, keepdims=True)
        sn = jnp.sum(ns_ref[...] * vv, axis=1, keepdims=True)
        ls = jax.nn.log_sigmoid(sp) + jax.nn.log_sigmoid(-sn)
        part = jnp.full((1, 1), -jnp.sum(ls) / B, jnp.float32)

        @pl.when(pl.program_id(0) == 0)
        def _():
            o_ref[...] = jnp.zeros((1, 1), jnp.float32)

        o_ref[...] += part

    out = pl.pallas_call(
        body,
        grid=(B // TB,),
        in_specs=[pl.BlockSpec((TB, D), lambda i: (i, 0))] * 3,
        out_specs=pl.BlockSpec((1, 1), lambda i: (0, 0)),
        out_shape=jax.ShapeDtypeStruct((1, 1), jnp.float32),
    )(v, u, ns)
    return out[0, 0]


def kernel(target_input, context, neg, target_w, context_w):
    B, NEG = neg.shape
    BPW = B // NW

    ni_flat = neg.reshape(-1)
    b = jnp.arange(B, dtype=jnp.int32)
    lidx = ((b // BPW) // NC) * BPW + (b % BPW)
    sidx2d = jnp.repeat(lidx, NEG).reshape(B * NEG // IDXW, IDXW)

    v, u, ns = _sc_gather(target_input, context, ni_flat, sidx2d,
                          target_w, context_w)
    return _tc_loss(v, u, ns)

# --- scband reference (transcript-rebuilt; emitter-appended) ---
"""Pipeline reference for scband-sgns-17746804867430 (READ-ONLY COPY).

The authoritative reference and input builder live on the scoring server;
editing this copy changes nothing except your own understanding.
"""

import jax, jax.numpy as jnp
import numpy as np

V = 1000000
D = 64
B = 16384
NEG = 20


def setup_inputs(seed: int = 0) -> dict:
    key = jax.random.key(seed)
    k1, k2, k3, k4, k5 = jax.random.split(key, 5)
    init_range = (2.0 / (V + D)) ** 0.5
    target_w = jax.random.uniform(k1, (V, D), minval=-init_range, maxval=init_range, dtype=jnp.float32)
    context_w = jax.random.uniform(k2, (V, D), minval=-init_range, maxval=init_range, dtype=jnp.float32)
    target_input = jax.random.randint(k3, (B,), 0, V, dtype=jnp.int32)
    context = jax.random.randint(k4, (B,), 0, V, dtype=jnp.int32)
    neg = jax.random.randint(k5, (B, NEG), 0, V, dtype=jnp.int32)
    return {
        "target_input": target_input,
        "context": context,
        "neg": neg,
        "target_w": target_w,
        "context_w": context_w,
    }


def reference(target_input, context, neg, target_w, context_w):
    # v = target_emb(target_input): gather rows [B, D]
    v = jnp.take(target_w, target_input, axis=0)
    # u = context_emb(context): gather rows [B, D]
    u = jnp.take(context_w, context, axis=0)
    # positive term: log_sigmoid(sum(u * v, dim=1)) -> [B]
    positive_val = jax.nn.log_sigmoid(jnp.sum(u * v, axis=1))
    # u_hat = context_emb(neg): gather [B, NEG, D]
    u_hat = jnp.take(context_w, neg, axis=0)
    # bmm(u_hat, v.unsqueeze(2)).squeeze(2) -> [B, NEG]
    neg_vals = jnp.einsum("bnd,bd->bn", u_hat, v)
    # log_sigmoid(-sum(neg_vals, dim=1)) -> [B]
    neg_val = jax.nn.log_sigmoid(-jnp.sum(neg_vals, axis=1))
    loss = positive_val + neg_val
    return -jnp.mean(loss)

if __name__ == "__main__":
    import jax
    _d = setup_inputs()
    print(jax.jit(kernel)(*tuple(_d.values())))

</pallas_src>

<mosaic_0001>
#map = affine_map<(d0, d1) -> (0)>
#map1 = affine_map<(d0, d1) -> (0, 0)>
module attributes {stable_mosaic.version = 14 : i64} {
  func.func @sc_part(%arg0: i32, %arg1: i32, %arg2: memref<16384xi32, #tpu.memory_space<hbm>>, %arg3: memref<16384xi32, #tpu.memory_space<hbm>>, %arg4: memref<327680xi32, #tpu.memory_space<hbm>>, %arg5: memref<2560x128xi32, #tpu.memory_space<hbm>>, %arg6: memref<1000000x64xf32, #tpu.memory_space<hbm>>, %arg7: memref<1000000x64xf32, #tpu.memory_space<hbm>>, %arg8: memref<16384x64xf32, #tpu.memory_space<hbm>>, %arg9: memref<16384x64xf32, #tpu.memory_space<hbm>>, %arg10: memref<16384x64xf32, #tpu.memory_space<hbm>>, %arg11: memref<512xi32, #tpu.memory_space<vmem>>, %arg12: memref<512xi32, #tpu.memory_space<vmem>>, %arg13: memref<10240xi32, #tpu.memory_space<vmem>>, %arg14: memref<80x128xi32, #tpu.memory_space<vmem>>, %arg15: memref<128x64xf32, #tpu.memory_space<vmem>>, %arg16: memref<128x64xf32, #tpu.memory_space<vmem>>, %arg17: memref<640x64xf32, #tpu.memory_space<vmem>>, %arg18: memref<128x64xf32, #tpu.memory_space<vmem>>, %arg19: memref<8192x64xf32, #tpu.memory_space<vmem_shared>>, %arg20: memref<!tpu.dma_semaphore, #tpu.memory_space<semaphore_mem>>, %arg21: memref<!tpu.dma_semaphore, #tpu.memory_space<semaphore_mem>>, %arg22: memref<!tpu.dma_semaphore, #tpu.memory_space<semaphore_mem>>, %arg23: memref<!tpu.dma_semaphore, #tpu.memory_space<semaphore_mem>>, %arg24: memref<!tpu.dma_semaphore, #tpu.memory_space<semaphore_mem>>, %arg25: memref<!tpu.dma_semaphore, #tpu.memory_space<semaphore_mem>>, %arg26: memref<!tpu.dma_semaphore, #tpu.memory_space<semaphore_mem>>, %arg27: memref<!tpu.dma_semaphore, #tpu.memory_space<semaphore_mem>>, %arg28: memref<!tpu.dma_semaphore, #tpu.memory_space<semaphore_mem>>, %arg29: memref<!tpu.dma_semaphore, #tpu.memory_space<semaphore_mem>>) attributes {dimension_semantics = [#tpu.dimension_semantics<core_parallel>, #tpu.dimension_semantics<subcore_parallel>], iteration_bounds = array<i64: 2, 16>, scalar_prefetch = 0 : i64, scratch_operands = 19 : i64, tpu.core_type = #tpu.core_type<sc_vector_subcore>, window_params = [{transform_indices = #map}, {transform_indices = #map}, {transform_indices = #map}, {transform_indices = #map1}, {transform_indices = #map1}, {transform_indices = #map1}, {transform_indices = #map1}, {transform_indices = #map1}, {transform_indices = #map1}]} {
    %mul3A = arith.constant 2 : i32
    %mul3A_0 = arith.muli %arg1, %mul3A : i32
    %add3A = arith.addi %mul3A_0, %arg0 : i32
    %mul3A_1 = arith.constant 512 : i32
    %mul3A_2 = arith.muli %add3A, %mul3A_1 : i32
    %scan3A = arith.constant 0 : i32
    %scan3A_3 = arith.constant 128 : i32
    %scan3A_4 = arith.addi %scan3A, %scan3A_3 : i32
    %scan3A_5 = arith.constant 1 : i32
    scf.for %scan3A_31 = %scan3A to %scan3A_4 step %scan3A_5  : i32 {
      %mul3A_32 = arith.constant 1 : i32
      %mul3A_33 = arith.muli %scan3A_31, %mul3A_32 : i32
      %add3A_34 = arith.constant 0 : i32
      %add3A_35 = arith.addi %add3A_34, %mul3A_33 : i32
      %broadcast_in_dim3A = arith.constant 0.000000e+00 : f32
      %broadcast_in_dim3A_36 = vector.broadcast %broadcast_in_dim3A : f32 to vector<16xf32>
      %swap3A = arith.index_cast %add3A_35 : i32 to index
      %swap3A_37 = arith.constant 0 : index
      %swap3A_38 = tpu.vector_load %arg18[%swap3A, %swap3A_37] {strides = array<i32>} : memref<128x64xf32, #tpu.memory_space<vmem>>, vector<1x16xf32>,
      %swap3A_39 = vector.shape_cast %swap3A_38 : vector<1x16xf32> to vector<16xf32>
      %swap3A_40 = vector.shape_cast %broadcast_in_dim3A_36 : vector<16xf32> to vector<1x16xf32>
      tpu.vector_store %arg18[%swap3A, %swap3A_37], %swap3A_40 {strides = array<i32>} : memref<128x64xf32, #tpu.memory_space<vmem>>, vector<1x16xf32>,
      %broadcast_in_dim3A_41 = arith.constant 0.000000e+00 : f32
      %broadcast_in_dim3A_42 = vector.broadcast %broadcast_in_dim3A_41 : f32 to vector<16xf32>
      %swap3A_43 = arith.index_cast %add3A_35 : i32 to index
      %swap3A_44 = arith.constant 16 : index
      %swap3A_45 = tpu.vector_load %arg18[%swap3A_43, %swap3A_44] {strides = array<i32>} : memref<128x64xf32, #tpu.memory_space<vmem>>, vector<1x16xf32>,
      %swap3A_46 = vector.shape_cast %swap3A_45 : vector<1x16xf32> to vector<16xf32>
      %swap3A_47 = vector.shape_cast %broadcast_in_dim3A_42 : vector<16xf32> to vector<1x16xf32>
      tpu.vector_store %arg18[%swap3A_43, %swap3A_44], %swap3A_47 {strides = array<i32>} : memref<128x64xf32, #tpu.memory_space<vmem>>, vector<1x16xf32>,
      %broadcast_in_dim3A_48 = arith.constant 0.000000e+00 : f32
      %broadcast_in_dim3A_49 = vector.broadcast %broadcast_in_dim3A_48 : f32 to vector<16xf32>
      %swap3A_50 = arith.index_cast %add3A_35 : i32 to index
      %swap3A_51 = arith.constant 32 : index
      %swap3A_52 = tpu.vector_load %arg18[%swap3A_50, %swap3A_51] {strides = array<i32>} : memref<128x64xf32, #tpu.memory_space<vmem>>, vector<1x16xf32>,
      %swap3A_53 = vector.shape_cast %swap3A_52 : vector<1x16xf32> to vector<16xf32>
      %swap3A_54 = vector.shape_cast %broadcast_in_dim3A_49 : vector<16xf32> to vector<1x16xf32>
      tpu.vector_store %arg18[%swap3A_50, %swap3A_51], %swap3A_54 {strides = array<i32>} : memref<128x64xf32, #tpu.memory_space<vmem>>, vector<1x16xf32>,
      %broadcast_in_dim3A_55 = arith.constant 0.000000e+00 : f32
      %broadcast_in_dim3A_56 = vector.broadcast %broadcast_in_dim3A_55 : f32 to vector<16xf32>
      %swap3A_57 = arith.index_cast %add3A_35 : i32 to index
      %swap3A_58 = arith.constant 48 : index
      %swap3A_59 = tpu.vector_load %arg18[%swap3A_57, %swap3A_58] {strides = array<i32>} : memref<128x64xf32, #tpu.memory_space<vmem>>, vector<1x16xf32>,
      %swap3A_60 = vector.shape_cast %swap3A_59 : vector<1x16xf32> to vector<16xf32>
      %swap3A_61 = vector.shape_cast %broadcast_in_dim3A_56 : vector<16xf32> to vector<1x16xf32>
      tpu.vector_store %arg18[%swap3A_57, %swap3A_58], %swap3A_61 {strides = array<i32>} : memref<128x64xf32, #tpu.memory_space<vmem>>, vector<1x16xf32>,
    }
    %scan3A_6 = arith.constant 128 : i32
    %scan3A_7 = arith.constant 0 : i32
    %scan3A_8 = arith.constant 4 : i32
    %scan3A_9 = arith.addi %scan3A_7, %scan3A_8 : i32
    %scan3A_10 = arith.constant 1 : i32
    scf.for %scan3A_31 = %scan3A_7 to %scan3A_9 step %scan3A_10  : i32 {
      %mul3A_32 = arith.constant 1 : i32
      %mul3A_33 = arith.muli %scan3A_31, %mul3A_32 : i32
      %add3A_34 = arith.constant 0 : i32
      %add3A_35 = arith.addi %add3A_34, %mul3A_33 : i32
      %mul3A_36 = arith.constant 512 : i32
      %mul3A_37 = arith.muli %arg1, %mul3A_36 : i32
      %mul3A_38 = arith.constant 128 : i32
      %mul3A_39 = arith.muli %add3A_35, %mul3A_38 : i32
      %add3A_40 = arith.addi %mul3A_37, %mul3A_39 : i32
      "tpu.region"() ({
        %run_scoped3A = tpu.sem_alloc : memref<!tpu.dma_semaphore, #tpu.memory_space<semaphore_mem>>
        %dma_start3A = arith.constant 0 : i32
        %dma_start3A_41 = tpu.memref_slice %arg19[%add3A_40, %dma_start3A] : memref<8192x64xf32, #tpu.memory_space<vmem_shared>> -> memref<128x64xf32, #tpu.memory_space<vmem_shared>>
        %dma_start3A_42 = arith.constant 0 : i32
        %dma_start3A_43 = tpu.memref_slice %arg19[%add3A_40, %dma_start3A_42] : memref<8192x64xf32, #tpu.memory_space<vmem_shared>> -> memref<128x64xf32, #tpu.memory_space<vmem_shared>>
        tpu.enqueue_dma source(%arg18 : memref<128x64xf32, #tpu.memory_space<vmem>>) target(%dma_start3A_43 : memref<128x64xf32, #tpu.memory_space<vmem_shared>>) target_semaphore(%run_scoped3A : memref<!tpu.dma_semaphore, #tpu.memory_space<semaphore_mem>>)
        %dma_wait3A = arith.constant 0 : i32
        %dma_wait3A_44 = tpu.memref_slice %arg19[%add3A_40, %dma_wait3A] : memref<8192x64xf32, #tpu.memory_space<vmem_shared>> -> memref<128x64xf32, #tpu.memory_space<vmem_shared>>
        %dma_wait3A_45 = arith.constant 0 : i32
        %dma_wait3A_46 = tpu.memref_slice %arg19[%add3A_40, %dma_wait3A_45] : memref<8192x64xf32, #tpu.memory_space<vmem_shared>> -> memref<128x64xf32, #tpu.memory_space<vmem_shared>>
        tpu.wait_dma2 semaphore(%run_scoped3A : memref<!tpu.dma_semaphore, #tpu.memory_space<semaphore_mem>>) src(%arg18 : memref<128x64xf32, #tpu.memory_space<vmem>>) dst(%dma_wait3A_46 : memref<128x64xf32, #tpu.memory_space<vmem_shared>>)
        tpu.yield
      }) : () -> ()
    }
    %scan3A_11 = arith.constant 4 : i32
    "tpu.region"() ({
      %run_scoped3A = tpu.sem_alloc : memref<!tpu.dma_semaphore, #tpu.memory_space<semaphore_mem>>
      %dma_start3A = tpu.memref_slice %arg2[%mul3A_2] : memref<16384xi32, #tpu.memory_space<hbm>> -> memref<512xi32, #tpu.memory_space<hbm>>
      %dma_start3A_31 = tpu.memref_slice %arg2[%mul3A_2] : memref<16384xi32, #tpu.memory_space<hbm>> -> memref<512xi32, #tpu.memory_space<hbm>>
      tpu.enqueue_dma source(%dma_start3A_31 : memref<512xi32, #tpu.memory_space<hbm>>) target(%arg11 : memref<512xi32, #tpu.memory_space<vmem>>) target_semaphore(%run_scoped3A : memref<!tpu.dma_semaphore, #tpu.memory_space<semaphore_mem>>)
      %dma_wait3A = tpu.memref_slice %arg2[%mul3A_2] : memref<16384xi32, #tpu.memory_space<hbm>> -> memref<512xi32, #tpu.memory_space<hbm>>
      %dma_wait3A_32 = tpu.memref_slice %arg2[%mul3A_2] : memref<16384xi32, #tpu.memory_space<hbm>> -> memref<512xi32, #tpu.memory_space<hbm>>
      tpu.wait_dma2 semaphore(%run_scoped3A : memref<!tpu.dma_semaphore, #tpu.memory_space<semaphore_mem>>) src(%dma_wait3A_32 : memref<512xi32, #tpu.memory_space<hbm>>) dst(%arg11 : memref<512xi32, #tpu.memory_space<vmem>>)
      tpu.yield
    }) : () -> ()
    "tpu.region"() ({
      %run_scoped3A = tpu.sem_alloc : memref<!tpu.dma_semaphore, #tpu.memory_space<semaphore_mem>>
      %dma_start3A = tpu.memref_slice %arg3[%mul3A_2] : memref<16384xi32, #tpu.memory_space<hbm>> -> memref<512xi32, #tpu.memory_space<hbm>>
      %dma_start3A_31 = tpu.memref_slice %arg3[%mul3A_2] : memref<16384xi32, #tpu.memory_space<hbm>> -> memref<512xi32, #tpu.memory_space<hbm>>
      tpu.enqueue_dma source(%dma_start3A_31 : memref<512xi32, #tpu.memory_space<hbm>>) target(%arg12 : memref<512xi32, #tpu.memory_space<vmem>>) target_semaphore(%run_scoped3A : memref<!tpu.dma_semaphore, #tpu.memory_space<semaphore_mem>>)
      %dma_wait3A = tpu.memref_slice %arg3[%mul3A_2] : memref<16384xi32, #tpu.memory_space<hbm>> -> memref<512xi32, #tpu.memory_space<hbm>>
      %dma_wait3A_32 = tpu.memref_slice %arg3[%mul3A_2] : memref<16384xi32, #tpu.memory_space<hbm>> -> memref<512xi32, #tpu.memory_space<hbm>>
      tpu.wait_dma2 semaphore(%run_scoped3A : memref<!tpu.dma_semaphore, #tpu.memory_space<semaphore_mem>>) src(%dma_wait3A_32 : memref<512xi32, #tpu.memory_space<hbm>>) dst(%arg12 : memref<512xi32, #tpu.memory_space<vmem>>)
      tpu.yield
    }) : () -> ()
    %mul3A_12 = arith.constant 20 : i32
    %mul3A_13 = arith.muli %mul3A_2, %mul3A_12 : i32
    "tpu.region"() ({
      %run_scoped3A = tpu.sem_alloc : memref<!tpu.dma_semaphore, #tpu.memory_space<semaphore_mem>>
      %dma_start3A = tpu.memref_slice %arg4[%mul3A_13] : memref<327680xi32, #tpu.memory_space<hbm>> -> memref<10240xi32, #tpu.memory_space<hbm>>
      %dma_start3A_31 = tpu.memref_slice %arg4[%mul3A_13] : memref<327680xi32, #tpu.memory_space<hbm>> -> memref<10240xi32, #tpu.memory_space<hbm>>
      tpu.enqueue_dma source(%dma_start3A_31 : memref<10240xi32, #tpu.memory_space<hbm>>) target(%arg13 : memref<10240xi32, #tpu.memory_space<vmem>>) target_semaphore(%run_scoped3A : memref<!tpu.dma_semaphore, #tpu.memory_space<semaphore_mem>>)
      %dma_wait3A = tpu.memref_slice %arg4[%mul3A_13] : memref<327680xi32, #tpu.memory_space<hbm>> -> memref<10240xi32, #tpu.memory_space<hbm>>
      %dma_wait3A_32 = tpu.memref_slice %arg4[%mul3A_13] : memref<327680xi32, #tpu.memory_space<hbm>> -> memref<10240xi32, #tpu.memory_space<hbm>>
      tpu.wait_dma2 semaphore(%run_scoped3A : memref<!tpu.dma_semaphore, #tpu.memory_space<semaphore_mem>>) src(%dma_wait3A_32 : memref<10240xi32, #tpu.memory_space<hbm>>) dst(%arg13 : memref<10240xi32, #tpu.memory_space<vmem>>)
      tpu.yield
    }) : () -> ()
    %mul3A_14 = arith.constant 80 : i32
    %mul3A_15 = arith.muli %add3A, %mul3A_14 : i32
    "tpu.region"() ({
      %run_scoped3A = tpu.sem_alloc : memref<!tpu.dma_semaphore, #tpu.memory_space<semaphore_mem>>
      %dma_start3A = arith.constant 0 : i32
      %dma_start3A_31 = tpu.memref_slice %arg5[%mul3A_15, %dma_start3A] : memref<2560x128xi32, #tpu.memory_space<hbm>> -> memref<80x128xi32, #tpu.memory_space<hbm>>
      %dma_start3A_32 = arith.constant 0 : i32
      %dma_start3A_33 = tpu.memref_slice %arg5[%mul3A_15, %dma_start3A_32] : memref<2560x128xi32, #tpu.memory_space<hbm>> -> memref<80x128xi32, #tpu.memory_space<hbm>>
      tpu.enqueue_dma source(%dma_start3A_33 : memref<80x128xi32, #tpu.memory_space<hbm>>) target(%arg14 : memref<80x128xi32, #tpu.memory_space<vmem>>) target_semaphore(%run_scoped3A : memref<!tpu.dma_semaphore, #tpu.memory_space<semaphore_mem>>)
      %dma_wait3A = arith.constant 0 : i32
      %dma_wait3A_34 = tpu.memref_slice %arg5[%mul3A_15, %dma_wait3A] : memref<2560x128xi32, #tpu.memory_space<hbm>> -> memref<80x128xi32, #tpu.memory_space<hbm>>
      %dma_wait3A_35 = arith.constant 0 : i32
      %dma_wait3A_36 = tpu.memref_slice %arg5[%mul3A_15, %dma_wait3A_35] : memref<2560x128xi32, #tpu.memory_space<hbm>> -> memref<80x128xi32, #tpu.memory_space<hbm>>
      tpu.wait_dma2 semaphore(%run_scoped3A : memref<!tpu.dma_semaphore, #tpu.memory_space<semaphore_mem>>) src(%dma_wait3A_36 : memref<80x128xi32, #tpu.memory_space<hbm>>) dst(%arg14 : memref<80x128xi32, #tpu.memory_space<vmem>>)
      tpu.yield
    }) : () -> ()
    %scan3A_16 = arith.constant 0 : i32
    %scan3A_17 = arith.constant 4 : i32
    %scan3A_18 = arith.addi %scan3A_16, %scan3A_17 : i32
    %scan3A_19 = arith.constant 1 : i32
    scf.for %scan3A_31 = %scan3A_16 to %scan3A_18 step %scan3A_19  : i32 {
      %mul3A_32 = arith.constant 1 : i32
      %mul3A_33 = arith.muli %scan3A_31, %mul3A_32 : i32
      %add3A_34 = arith.constant 0 : i32
      %add3A_35 = arith.addi %add3A_34, %mul3A_33 : i32
      %mul3A_36 = arith.constant 128 : i32
      %mul3A_37 = arith.muli %add3A_35, %mul3A_36 : i32
      "tpu.region"() ({
        %run_scoped3A = tpu.sem_alloc : memref<!tpu.dma_semaphore, #tpu.memory_space<semaphore_mem>>
        %dma_start3A = tpu.memref_slice %arg11[%mul3A_37] : memref<512xi32, #tpu.memory_space<vmem>> -> memref<128xi32, #tpu.memory_space<vmem>>
        %dma_start3A_46 = arith.constant 0 : i32
        %dma_start3A_47 = arith.constant 0 : i32
        %dma_start3A_48 = tpu.memref_slice %arg6[%dma_start3A_46, %dma_start3A_47] : memref<1000000x64xf32, #tpu.memory_space<hbm>> -> memref<1000000x64xf32, #tpu.memory_space<hbm>>
        tpu.enqueue_indirect_dma source(%dma_start3A_48 : memref<1000000x64xf32, #tpu.memory_space<hbm>>) target(%arg15 : memref<128x64xf32, #tpu.memory_space<vmem>>) offsets(%dma_start3A : memref<128xi32, #tpu.memory_space<vmem>>) semaphore(%run_scoped3A : memref<!tpu.dma_semaphore, #tpu.memory_space<semaphore_mem>>)
        %dma_wait3A = tpu.memref_slice %arg11[%mul3A_37] : memref<512xi32, #tpu.memory_space<vmem>> -> memref<128xi32, #tpu.memory_space<vmem>>
        %dma_wait3A_49 = arith.constant 0 : i32
        %dma_wait3A_50 = arith.constant 0 : i32
        %dma_wait3A_51 = tpu.memref_slice %arg6[%dma_wait3A_49, %dma_wait3A_50] : memref<1000000x64xf32, #tpu.memory_space<hbm>> -> memref<1000000x64xf32, #tpu.memory_space<hbm>>
        tpu.wait_indirect_dma semaphore(%run_scoped3A : memref<!tpu.dma_semaphore, #tpu.memory_space<semaphore_mem>>) src(%dma_wait3A_51 : memref<1000000x64xf32, #tpu.memory_space<hbm>>) dst(%arg15 : memref<128x64xf32, #tpu.memory_space<vmem>>)
        tpu.yield
      }) : () -> ()
      %mul3A_38 = arith.constant 128 : i32
      %mul3A_39 = arith.muli %add3A_35, %mul3A_38 : i32
      %add3A_40 = arith.addi %mul3A_2, %mul3A_39 : i32
      "tpu.region"() ({
        %run_scoped3A = tpu.sem_alloc : memref<!tpu.dma_semaphore, #tpu.memory_space<semaphore_mem>>
        %dma_start3A = arith.constant 0 : i32
        %dma_start3A_46 = tpu.memref_slice %arg8[%add3A_40, %dma_start3A] : memref<16384x64xf32, #tpu.memory_space<hbm>> -> memref<128x64xf32, #tpu.memory_space<hbm>>
        %dma_start3A_47 = arith.constant 0 : i32
        %dma_start3A_48 = tpu.memref_slice %arg8[%add3A_40, %dma_start3A_47] : memref<16384x64xf32, #tpu.memory_space<hbm>> -> memref<128x64xf32, #tpu.memory_space<hbm>>
        tpu.enqueue_dma source(%arg15 : memref<128x64xf32, #tpu.memory_space<vmem>>) target(%dma_start3A_48 : memref<128x64xf32, #tpu.memory_space<hbm>>) target_semaphore(%run_scoped3A : memref<!tpu.dma_semaphore, #tpu.memory_space<semaphore_mem>>)
        %dma_wait3A = arith.constant 0 : i32
        %dma_wait3A_49 = tpu.memref_slice %arg8[%add3A_40, %dma_wait3A] : memref<16384x64xf32, #tpu.memory_space<hbm>> -> memref<128x64xf32, #tpu.memory_space<hbm>>
        %dma_wait3A_50 = arith.constant 0 : i32
        %dma_wait3A_51 = tpu.memref_slice %arg8[%add3A_40, %dma_wait3A_50] : memref<16384x64xf32, #tpu.memory_space<hbm>> -> memref<128x64xf32, #tpu.memory_space<hbm>>
        tpu.wait_dma2 semaphore(%run_scoped3A : memref<!tpu.dma_semaphore, #tpu.memory_space<semaphore_mem>>) src(%arg15 : memref<128x64xf32, #tpu.memory_space<vmem>>) dst(%dma_wait3A_51 : memref<128x64xf32, #tpu.memory_space<hbm>>)
        tpu.yield
      }) : () -> ()
      %mul3A_41 = arith.constant 128 : i32
      %mul3A_42 = arith.muli %add3A_35, %mul3A_41 : i32
      "tpu.region"() ({
        %run_scoped3A = tpu.sem_alloc : memref<!tpu.dma_semaphore, #tpu.memory_space<semaphore_mem>>
        %dma_start3A = tpu.memref_slice %arg12[%mul3A_42] : memref<512xi32, #tpu.memory_space<vmem>> -> memref<128xi32, #tpu.memory_space<vmem>>
        %dma_start3A_46 = arith.constant 0 : i32
        %dma_start3A_47 = arith.constant 0 : i32
        %dma_start3A_48 = tpu.memref_slice %arg7[%dma_start3A_46, %dma_start3A_47] : memref<1000000x64xf32, #tpu.memory_space<hbm>> -> memref<1000000x64xf32, #tpu.memory_space<hbm>>
        tpu.enqueue_indirect_dma source(%dma_start3A_48 : memref<1000000x64xf32, #tpu.memory_space<hbm>>) target(%arg16 : memref<128x64xf32, #tpu.memory_space<vmem>>) offsets(%dma_start3A : memref<128xi32, #tpu.memory_space<vmem>>) semaphore(%run_scoped3A : memref<!tpu.dma_semaphore, #tpu.memory_space<semaphore_mem>>)
        %dma_wait3A = tpu.memref_slice %arg12[%mul3A_42] : memref<512xi32, #tpu.memory_space<vmem>> -> memref<128xi32, #tpu.memory_space<vmem>>
        %dma_wait3A_49 = arith.constant 0 : i32
        %dma_wait3A_50 = arith.constant 0 : i32
        %dma_wait3A_51 = tpu.memref_slice %arg7[%dma_wait3A_49, %dma_wait3A_50] : memref<1000000x64xf32, #tpu.memory_space<hbm>> -> memref<1000000x64xf32, #tpu.memory_space<hbm>>
        tpu.wait_indirect_dma semaphore(%run_scoped3A : memref<!tpu.dma_semaphore, #tpu.memory_space<semaphore_mem>>) src(%dma_wait3A_51 : memref<1000000x64xf32, #tpu.memory_space<hbm>>) dst(%arg16 : memref<128x64xf32, #tpu.memory_space<vmem>>)
        tpu.yield
      }) : () -> ()
      %mul3A_43 = arith.constant 128 : i32
      %mul3A_44 = arith.muli %add3A_35, %mul3A_43 : i32
      %add3A_45 = arith.addi %mul3A_2, %mul3A_44 : i32
      "tpu.region"() ({
        %run_scoped3A = tpu.sem_alloc : memref<!tpu.dma_semaphore, #tpu.memory_space<semaphore_mem>>
        %dma_start3A = arith.constant 0 : i32
        %dma_start3A_46 = tpu.memref_slice %arg9[%add3A_45, %dma_start3A] : memref<16384x64xf32, #tpu.memory_space<hbm>> -> memref<128x64xf32, #tpu.memory_space<hbm>>
        %dma_start3A_47 = arith.constant 0 : i32
        %dma_start3A_48 = tpu.memref_slice %arg9[%add3A_45, %dma_start3A_47] : memref<16384x64xf32, #tpu.memory_space<hbm>> -> memref<128x64xf32, #tpu.memory_space<hbm>>
        tpu.enqueue_dma source(%arg16 : memref<128x64xf32, #tpu.memory_space<vmem>>) target(%dma_start3A_48 : memref<128x64xf32, #tpu.memory_space<hbm>>) target_semaphore(%run_scoped3A : memref<!tpu.dma_semaphore, #tpu.memory_space<semaphore_mem>>)
        %dma_wait3A = arith.constant 0 : i32
        %dma_wait3A_49 = tpu.memref_slice %arg9[%add3A_45, %dma_wait3A] : memref<16384x64xf32, #tpu.memory_space<hbm>> -> memref<128x64xf32, #tpu.memory_space<hbm>>
        %dma_wait3A_50 = arith.constant 0 : i32
        %dma_wait3A_51 = tpu.memref_slice %arg9[%add3A_45, %dma_wait3A_50] : memref<16384x64xf32, #tpu.memory_space<hbm>> -> memref<128x64xf32, #tpu.memory_space<hbm>>
        tpu.wait_dma2 semaphore(%run_scoped3A : memref<!tpu.dma_semaphore, #tpu.memory_space<semaphore_mem>>) src(%arg16 : memref<128x64xf32, #tpu.memory_space<vmem>>) dst(%dma_wait3A_51 : memref<128x64xf32, #tpu.memory_space<hbm>>)
        tpu.yield
      }) : () -> ()
    }
    %scan3A_20 = arith.constant 4 : i32
    %scan3A_21 = arith.constant 0 : i32
    %scan3A_22 = arith.constant 16 : i32
    %scan3A_23 = arith.addi %scan3A_21, %scan3A_22 : i32
    %scan3A_24 = arith.constant 1 : i32
    scf.for %scan3A_31 = %scan3A_21 to %scan3A_23 step %scan3A_24  : i32 {
      %mul3A_32 = arith.constant 5 : i32
      %mul3A_33 = arith.muli %scan3A_31, %mul3A_32 : i32
      %add3A_34 = arith.constant 0 : i32
      %add3A_35 = arith.addi %add3A_34, %mul3A_33 : i32
      %add3A_36 = arith.constant 0 : i32
      %add3A_37 = arith.addi %add3A_35, %add3A_36 : i32
      %mul3A_38 = arith.constant 128 : i32
      %mul3A_39 = arith.muli %add3A_37, %mul3A_38 : i32
      %dma_start3A = arith.constant 0 : i32
      %dma_start3A_40 = arith.constant 0 : i32
      %dma_start3A_41 = tpu.memref_slice %arg17[%dma_start3A, %dma_start3A_40] : memref<640x64xf32, #tpu.memory_space<vmem>> -> memref<128x64xf32, #tpu.memory_space<vmem>>
      %dma_start3A_42 = tpu.memref_slice %arg13[%mul3A_39] : memref<10240xi32, #tpu.memory_space<vmem>> -> memref<128xi32, #tpu.memory_space<vmem>>
      %dma_start3A_43 = arith.constant 0 : i32
      %dma_start3A_44 = arith.constant 0 : i32
      %dma_start3A_45 = tpu.memref_slice %arg7[%dma_start3A_43, %dma_start3A_44] : memref<1000000x64xf32, #tpu.memory_space<hbm>> -> memref<1000000x64xf32, #tpu.memory_space<hbm>>
      tpu.enqueue_indirect_dma source(%dma_start3A_45 : memref<1000000x64xf32, #tpu.memory_space<hbm>>) target(%dma_start3A_41 : memref<128x64xf32, #tpu.memory_space<vmem>>) offsets(%dma_start3A_42 : memref<128xi32, #tpu.memory_space<vmem>>) semaphore(%arg20 : memref<!tpu.dma_semaphore, #tpu.memory_space<semaphore_mem>>)
      %add3A_46 = arith.constant 1 : i32
      %add3A_47 = arith.addi %add3A_35, %add3A_46 : i32
      %mul3A_48 = arith.constant 128 : i32
      %mul3A_49 = arith.muli %add3A_47, %mul3A_48 : i32
      %dma_start3A_50 = arith.constant 128 : i32
      %dma_start3A_51 = arith.constant 0 : i32
      %dma_start3A_52 = tpu.memref_slice %arg17[%dma_start3A_50, %dma_start3A_51] : memref<640x64xf32, #tpu.memory_space<vmem>> -> memref<128x64xf32, #tpu.memory_space<vmem>>
      %dma_start3A_53 = tpu.memref_slice %arg13[%mul3A_49] : memref<10240xi32, #tpu.memory_space<vmem>> -> memref<128xi32, #tpu.memory_space<vmem>>
      %dma_start3A_54 = arith.constant 0 : i32
      %dma_start3A_55 = arith.constant 0 : i32
      %dma_start3A_56 = tpu.memref_slice %arg7[%dma_start3A_54, %dma_start3A_55] : memref<1000000x64xf32, #tpu.memory_space<hbm>> -> memref<1000000x64xf32, #tpu.memory_space<hbm>>
      tpu.enqueue_indirect_dma source(%dma_start3A_56 : memref<1000000x64xf32, #tpu.memory_space<hbm>>) target(%dma_start3A_52 : memref<128x64xf32, #tpu.memory_space<vmem>>) offsets(%dma_start3A_53 : memref<128xi32, #tpu.memory_space<vmem>>) semaphore(%arg21 : memref<!tpu.dma_semaphore, #tpu.memory_space<semaphore_mem>>)
      %add3A_57 = arith.constant 2 : i32
      %add3A_58 = arith.addi %add3A_35, %add3A_57 : i32
      %mul3A_59 = arith.constant 128 : i32
      %mul3A_60 = arith.muli %add3A_58, %mul3A_59 : i32
      %dma_start3A_61 = arith.constant 256 : i32
      %dma_start3A_62 = arith.constant 0 : i32
      %dma_start3A_63 = tpu.memref_slice %arg17[%dma_start3A_61, %dma_start3A_62] : memref<640x64xf32, #tpu.memory_space<vmem>> -> memref<128x64xf32, #tpu.memory_space<vmem>>
      %dma_start3A_64 = tpu.memref_slice %arg13[%mul3A_60] : memref<10240xi32, #tpu.memory_space<vmem>> -> memref<128xi32, #tpu.memory_space<vmem>>
      %dma_start3A_65 = arith.constant 0 : i32
      %dma_start3A_66 = arith.constant 0 : i32
      %dma_start3A_67 = tpu.memref_slice %arg7[%dma_start3A_65, %dma_start3A_66] : memref<1000000x64xf32, #tpu.memory_space<hbm>> -> memref<1000000x64xf32, #tpu.memory_space<hbm>>
      tpu.enqueue_indirect_dma source(%dma_start3A_67 : memref<1000000x64xf32, #tpu.memory_space<hbm>>) target(%dma_start3A_63 : memref<128x64xf32, #tpu.memory_space<vmem>>) offsets(%dma_start3A_64 : memref<128xi32, #tpu.memory_space<vmem>>) semaphore(%arg22 : memref<!tpu.dma_semaphore, #tpu.memory_space<semaphore_mem>>)
      %add3A_68 = arith.constant 3 : i32
      %add3A_69 = arith.addi %add3A_35, %add3A_68 : i32
      %mul3A_70 = arith.constant 128 : i32
      %mul3A_71 = arith.muli %add3A_69, %mul3A_70 : i32
      %dma_start3A_72 = arith.constant 384 : i32
      %dma_start3A_73 = arith.constant 0 : i32
      %dma_start3A_74 = tpu.memref_slice %arg17[%dma_start3A_72, %dma_start3A_73] : memref<640x64xf32, #tpu.memory_space<vmem>> -> memref<128x64xf32, #tpu.memory_space<vmem>>
      %dma_start3A_75 = tpu.memref_slice %arg13[%mul3A_71] : memref<10240xi32, #tpu.memory_space<vmem>> -> memref<128xi32, #tpu.memory_space<vmem>>
      %dma_start3A_76 = arith.constant 0 : i32
      %dma_start3A_77 = arith.constant 0 : i32
      %dma_start3A_78 = tpu.memref_slice %arg7[%dma_start3A_76, %dma_start3A_77] : memref<1000000x64xf32, #tpu.memory_space<hbm>> -> memref<1000000x64xf32, #tpu.memory_space<hbm>>
      tpu.enqueue_indirect_dma source(%dma_start3A_78 : memref<1000000x64xf32, #tpu.memory_space<hbm>>) target(%dma_start3A_74 : memref<128x64xf32, #tpu.memory_space<vmem>>) offsets(%dma_start3A_75 : memref<128xi32, #tpu.memory_space<vmem>>) semaphore(%arg23 : memref<!tpu.dma_semaphore, #tpu.memory_space<semaphore_mem>>)
      %add3A_79 = arith.constant 4 : i32
      %add3A_80 = arith.addi %add3A_35, %add3A_79 : i32
      %mul3A_81 = arith.constant 128 : i32
      %mul3A_82 = arith.muli %add3A_80, %mul3A_81 : i32
      %dma_start3A_83 = arith.constant 512 : i32
      %dma_start3A_84 = arith.constant 0 : i32
      %dma_start3A_85 = tpu.memref_slice %arg17[%dma_start3A_83, %dma_start3A_84] : memref<640x64xf32, #tpu.memory_space<vmem>> -> memref<128x64xf32, #tpu.memory_space<vmem>>
      %dma_start3A_86 = tpu.memref_slice %arg13[%mul3A_82] : memref<10240xi32, #tpu.memory_space<vmem>> -> memref<128xi32, #tpu.memory_space<vmem>>
      %dma_start3A_87 = arith.constant 0 : i32
      %dma_start3A_88 = arith.constant 0 : i32
      %dma_start3A_89 = tpu.memref_slice %arg7[%dma_start3A_87, %dma_start3A_88] : memref<1000000x64xf32, #tpu.memory_space<hbm>> -> memref<1000000x64xf32, #tpu.memory_space<hbm>>
      tpu.enqueue_indirect_dma source(%dma_start3A_89 : memref<1000000x64xf32, #tpu.memory_space<hbm>>) target(%dma_start3A_85 : memref<128x64xf32, #tpu.memory_space<vmem>>) offsets(%dma_start3A_86 : memref<128xi32, #tpu.memory_space<vmem>>) semaphore(%arg24 : memref<!tpu.dma_semaphore, #tpu.memory_space<semaphore_mem>>)
      %dma_wait3A = arith.constant 0 : i32
      %dma_wait3A_90 = arith.constant 0 : i32
      %dma_wait3A_91 = tpu.memref_slice %arg17[%dma_wait3A, %dma_wait3A_90] : memref<640x64xf32, #tpu.memory_space<vmem>> -> memref<128x64xf32, #tpu.memory_space<vmem>>
      %dma_wait3A_92 = tpu.memref_slice %arg13[%mul3A_39] : memref<10240xi32, #tpu.memory_space<vmem>> -> memref<128xi32, #tpu.memory_space<vmem>>
      %dma_wait3A_93 = arith.constant 0 : i32
      %dma_wait3A_94 = arith.constant 0 : i32
      %dma_wait3A_95 = tpu.memref_slice %arg7[%dma_wait3A_93, %dma_wait3A_94] : memref<1000000x64xf32, #tpu.memory_space<hbm>> -> memref<1000000x64xf32, #tpu.memory_space<hbm>>
      tpu.wait_indirect_dma semaphore(%arg20 : memref<!tpu.dma_semaphore, #tpu.memory_space<semaphore_mem>>) src(%dma_wait3A_95 : memref<1000000x64xf32, #tpu.memory_space<hbm>>) dst(%dma_wait3A_91 : memref<128x64xf32, #tpu.memory_space<vmem>>)
      %add3A_96 = arith.constant 0 : i32
      %add3A_97 = arith.addi %add3A_35, %add3A_96 : i32
      %dma_start3A_98 = arith.constant 0 : i32
      %dma_start3A_99 = arith.constant 0 : i32
      %dma_start3A_100 = tpu.memref_slice %arg17[%dma_start3A_98, %dma_start3A_99] : memref<640x64xf32, #tpu.memory_space<vmem>> -> memref<128x64xf32, #tpu.memory_space<vmem>>
      %dma_start3A_101 = arith.constant 0 : i32
      %dma_start3A_102 = tpu.memref_slice %arg14[%add3A_97, %dma_start3A_101] : memref<80x128xi32, #tpu.memory_space<vmem>> -> memref<1x128xi32, #tpu.memory_space<vmem>>
      %dma_start3A_103 = tpu.memref_squeeze %dma_start3A_102 : memref<1x128xi32, #tpu.memory_space<vmem>> -> memref<128xi32, #tpu.memory_space<vmem>>
      %dma_start3A_104 = arith.constant 0 : i32
      %dma_start3A_105 = arith.constant 0 : i32
      %dma_start3A_106 = tpu.memref_slice %arg19[%dma_start3A_104, %dma_start3A_105] : memref<8192x64xf32, #tpu.memory_space<vmem_shared>> -> memref<8192x64xf32, #tpu.memory_space<vmem_shared>>
      tpu.enqueue_indirect_dma source(%dma_start3A_100 : memref<128x64xf32, #tpu.memory_space<vmem>>) target(%dma_start3A_106 : memref<8192x64xf32, #tpu.memory_space<vmem_shared>>) offsets(%dma_start3A_103 : memref<128xi32, #tpu.memory_space<vmem>>) semaphore(%arg25 : memref<!tpu.dma_semaphore, #tpu.memory_space<semaphore_mem>>) {add = true}
      %dma_wait3A_107 = arith.constant 128 : i32
      %dma_wait3A_108 = arith.constant 0 : i32
      %dma_wait3A_109 = tpu.memref_slice %arg17[%dma_wait3A_107, %dma_wait3A_108] : memref<640x64xf32, #tpu.memory_space<vmem>> -> memref<128x64xf32, #tpu.memory_space<vmem>>
      %dma_wait3A_110 = tpu.memref_slice %arg13[%mul3A_49] : memref<10240xi32, #tpu.memory_space<vmem>> -> memref<128xi32, #tpu.memory_space<vmem>>
      %dma_wait3A_111 = arith.constant 0 : i32
      %dma_wait3A_112 = arith.constant 0 : i32
      %dma_wait3A_113 = tpu.memref_slice %arg7[%dma_wait3A_111, %dma_wait3A_112] : memref<1000000x64xf32, #tpu.memory_space<hbm>> -> memref<1000000x64xf32, #tpu.memory_space<hbm>>
      tpu.wait_indirect_dma semaphore(%arg21 : memref<!tpu.dma_semaphore, #tpu.memory_space<semaphore_mem>>) src(%dma_wait3A_113 : memref<1000000x64xf32, #tpu.memory_space<hbm>>) dst(%dma_wait3A_109 : memref<128x64xf32, #tpu.memory_space<vmem>>)
      %add3A_114 = arith.constant 1 : i32
      %add3A_115 = arith.addi %add3A_35, %add3A_114 : i32
      %dma_start3A_116 = arith.constant 128 : i32
      %dma_start3A_117 = arith.constant 0 : i32
      %dma_start3A_118 = tpu.memref_slice %arg17[%dma_start3A_116, %dma_start3A_117] : memref<640x64xf32, #tpu.memory_space<vmem>> -> memref<128x64xf32, #tpu.memory_space<vmem>>
      %dma_start3A_119 = arith.constant 0 : i32
      %dma_start3A_120 = tpu.memref_slice %arg14[%add3A_115, %dma_start3A_119] : memref<80x128xi32, #tpu.memory_space<vmem>> -> memref<1x128xi32, #tpu.memory_space<vmem>>
      %dma_start3A_121 = tpu.memref_squeeze %dma_start3A_120 : memref<1x128xi32, #tpu.memory_space<vmem>> -> memref<128xi32, #tpu.memory_space<vmem>>
      %dma_start3A_122 = arith.constant 0 : i32
      %dma_start3A_123 = arith.constant 0 : i32
      %dma_start3A_124 = tpu.memref_slice %arg19[%dma_start3A_122, %dma_start3A_123] : memref<8192x64xf32, #tpu.memory_space<vmem_shared>> -> memref<8192x64xf32, #tpu.memory_space<vmem_shared>>
      tpu.enqueue_indirect_dma source(%dma_start3A_118 : memref<128x64xf32, #tpu.memory_space<vmem>>) target(%dma_start3A_124 : memref<8192x64xf32, #tpu.memory_space<vmem_shared>>) offsets(%dma_start3A_121 : memref<128xi32, #tpu.memory_space<vmem>>) semaphore(%arg26 : memref<!tpu.dma_semaphore, #tpu.memory_space<semaphore_mem>>) {add = true}
      %dma_wait3A_125 = arith.constant 256 : i32
      %dma_wait3A_126 = arith.constant 0 : i32
      %dma_wait3A_127 = tpu.memref_slice %arg17[%dma_wait3A_125, %dma_wait3A_126] : memref<640x64xf32, #tpu.memory_space<vmem>> -> memref<128x64xf32, #tpu.memory_space<vmem>>
      %dma_wait3A_128 = tpu.memref_slice %arg13[%mul3A_60] : memref<10240xi32, #tpu.memory_space<vmem>> -> memref<128xi32, #tpu.memory_space<vmem>>
      %dma_wait3A_129 = arith.constant 0 : i32
      %dma_wait3A_130 = arith.constant 0 : i32
      %dma_wait3A_131 = tpu.memref_slice %arg7[%dma_wait3A_129, %dma_wait3A_130] : memref<1000000x64xf32, #tpu.memory_space<hbm>> -> memref<1000000x64xf32, #tpu.memory_space<hbm>>
      tpu.wait_indirect_dma semaphore(%arg22 : memref<!tpu.dma_semaphore, #tpu.memory_space<semaphore_mem>>) src(%dma_wait3A_131 : memref<1000000x64xf32, #tpu.memory_space<hbm>>) dst(%dma_wait3A_127 : memref<128x64xf32, #tpu.memory_space<vmem>>)
      %add3A_132 = arith.constant 2 : i32
      %add3A_133 = arith.addi %add3A_35, %add3A_132 : i32
      %dma_start3A_134 = arith.constant 256 : i32
      %dma_start3A_135 = arith.constant 0 : i32
      %dma_start3A_136 = tpu.memref_slice %arg17[%dma_start3A_134, %dma_start3A_135] : memref<640x64xf32, #tpu.memory_space<vmem>> -> memref<128x64xf32, #tpu.memory_space<vmem>>
      %dma_start3A_137 = arith.constant 0 : i32
      %dma_start3A_138 = tpu.memref_slice %arg14[%add3A_133, %dma_start3A_137] : memref<80x128xi32, #tpu.memory_space<vmem>> -> memref<1x128xi32, #tpu.memory_space<vmem>>
      %dma_start3A_139 = tpu.memref_squeeze %dma_start3A_138 : memref<1x128xi32, #tpu.memory_space<vmem>> -> memref<128xi32, #tpu.memory_space<vmem>>
      %dma_start3A_140 = arith.constant 0 : i32
      %dma_start3A_141 = arith.constant 0 : i32
      %dma_start3A_142 = tpu.memref_slice %arg19[%dma_start3A_140, %dma_start3A_141] : memref<8192x64xf32, #tpu.memory_space<vmem_shared>> -> memref<8192x64xf32, #tpu.memory_space<vmem_shared>>
      tpu.enqueue_indirect_dma source(%dma_start3A_136 : memref<128x64xf32, #tpu.memory_space<vmem>>) target(%dma_start3A_142 : memref<8192x64xf32, #tpu.memory_space<vmem_shared>>) offsets(%dma_start3A_139 : memref<128xi32, #tpu.memory_space<vmem>>) semaphore(%arg27 : memref<!tpu.dma_semaphore, #tpu.memory_space<semaphore_mem>>) {add = true}
      %dma_wait3A_143 = arith.constant 384 : i32
      %dma_wait3A_144 = arith.constant 0 : i32
      %dma_wait3A_145 = tpu.memref_slice %arg17[%dma_wait3A_143, %dma_wait3A_144] : memref<640x64xf32, #tpu.memory_space<vmem>> -> memref<128x64xf32, #tpu.memory_space<vmem>>
      %dma_wait3A_146 = tpu.memref_slice %arg13[%mul3A_71] : memref<10240xi32, #tpu.memory_space<vmem>> -> memref<128xi32, #tpu.memory_space<vmem>>
      %dma_wait3A_147 = arith.constant 0 : i32
      %dma_wait3A_148 = arith.constant 0 : i32
      %dma_wait3A_149 = tpu.memref_slice %arg7[%dma_wait3A_147, %dma_wait3A_148] : memref<1000000x64xf32, #tpu.memory_space<hbm>> -> memref<1000000x64xf32, #tpu.memory_space<hbm>>
      tpu.wait_indirect_dma semaphore(%arg23 : memref<!tpu.dma_semaphore, #tpu.memory_space<semaphore_mem>>) src(%dma_wait3A_149 : memref<1000000x64xf32, #tpu.memory_space<hbm>>) dst(%dma_wait3A_145 : memref<128x64xf32, #tpu.memory_space<vmem>>)
      %add3A_150 = arith.constant 3 : i32
      %add3A_151 = arith.addi %add3A_35, %add3A_150 : i32
      %dma_start3A_152 = arith.constant 384 : i32
      %dma_start3A_153 = arith.constant 0 : i32
      %dma_start3A_154 = tpu.memref_slice %arg17[%dma_start3A_152, %dma_start3A_153] : memref<640x64xf32, #tpu.memory_space<vmem>> -> memref<128x64xf32, #tpu.memory_space<vmem>>
      %dma_start3A_155 = arith.constant 0 : i32
      %dma_start3A_156 = tpu.memref_slice %arg14[%add3A_151, %dma_start3A_155] : memref<80x128xi32, #tpu.memory_space<vmem>> -> memref<1x128xi32, #tpu.memory_space<vmem>>
      %dma_start3A_157 = tpu.memref_squeeze %dma_start3A_156 : memref<1x128xi32, #tpu.memory_space<vmem>> -> memref<128xi32, #tpu.memory_space<vmem>>
      %dma_start3A_158 = arith.constant 0 : i32
      %dma_start3A_159 = arith.constant 0 : i32
      %dma_start3A_160 = tpu.memref_slice %arg19[%dma_start3A_158, %dma_start3A_159] : memref<8192x64xf32, #tpu.memory_space<vmem_shared>> -> memref<8192x64xf32, #tpu.memory_space<vmem_shared>>
      tpu.enqueue_indirect_dma source(%dma_start3A_154 : memref<128x64xf32, #tpu.memory_space<vmem>>) target(%dma_start3A_160 : memref<8192x64xf32, #tpu.memory_space<vmem_shared>>) offsets(%dma_start3A_157 : memref<128xi32, #tpu.memory_space<vmem>>) semaphore(%arg28 : memref<!tpu.dma_semaphore, #tpu.memory_space<semaphore_mem>>) {add = true}
      %dma_wait3A_161 = arith.constant 512 : i32
      %dma_wait3A_162 = arith.constant 0 : i32
      %dma_wait3A_163 = tpu.memref_slice %arg17[%dma_wait3A_161, %dma_wait3A_162] : memref<640x64xf32, #tpu.memory_space<vmem>> -> memref<128x64xf32, #tpu.memory_space<vmem>>
      %dma_wait3A_164 = tpu.memref_slice %arg13[%mul3A_82] : memref<10240xi32, #tpu.memory_space<vmem>> -> memref<128xi32, #tpu.memory_space<vmem>>
      %dma_wait3A_165 = arith.constant 0 : i32
      %dma_wait3A_166 = arith.constant 0 : i32
      %dma_wait3A_167 = tpu.memref_slice %arg7[%dma_wait3A_165, %dma_wait3A_166] : memref<1000000x64xf32, #tpu.memory_space<hbm>> -> memref<1000000x64xf32, #tpu.memory_space<hbm>>
      tpu.wait_indirect_dma semaphore(%arg24 : memref<!tpu.dma_semaphore, #tpu.memory_space<semaphore_mem>>) src(%dma_wait3A_167 : memref<1000000x64xf32, #tpu.memory_space<hbm>>) dst(%dma_wait3A_163 : memref<128x64xf32, #tpu.memory_space<vmem>>)
      %add3A_168 = arith.constant 4 : i32
      %add3A_169 = arith.addi %add3A_35, %add3A_168 : i32
      %dma_start3A_170 = arith.constant 512 : i32
      %dma_start3A_171 = arith.constant 0 : i32
      %dma_start3A_172 = tpu.memref_slice %arg17[%dma_start3A_170, %dma_start3A_171] : memref<640x64xf32, #tpu.memory_space<vmem>> -> memref<128x64xf32, #tpu.memory_space<vmem>>
      %dma_start3A_173 = arith.constant 0 : i32
      %dma_start3A_174 = tpu.memref_slice %arg14[%add3A_169, %dma_start3A_173] : memref<80x128xi32, #tpu.memory_space<vmem>> -> memref<1x128xi32, #tpu.memory_space<vmem>>
      %dma_start3A_175 = tpu.memref_squeeze %dma_start3A_174 : memref<1x128xi32, #tpu.memory_space<vmem>> -> memref<128xi32, #tpu.memory_space<vmem>>
      %dma_start3A_176 = arith.constant 0 : i32
      %dma_start3A_177 = arith.constant 0 : i32
      %dma_start3A_178 = tpu.memref_slice %arg19[%dma_start3A_176, %dma_start3A_177] : memref<8192x64xf32, #tpu.memory_space<vmem_shared>> -> memref<8192x64xf32, #tpu.memory_space<vmem_shared>>
      tpu.enqueue_indirect_dma source(%dma_start3A_172 : memref<128x64xf32, #tpu.memory_space<vmem>>) target(%dma_start3A_178 : memref<8192x64xf32, #tpu.memory_space<vmem_shared>>) offsets(%dma_start3A_175 : memref<128xi32, #tpu.memory_space<vmem>>) semaphore(%arg29 : memref<!tpu.dma_semaphore, #tpu.memory_space<semaphore_mem>>) {add = true}
      %dma_wait3A_179 = arith.constant 0 : i32
      %dma_wait3A_180 = arith.constant 0 : i32
      %dma_wait3A_181 = tpu.memref_slice %arg17[%dma_wait3A_179, %dma_wait3A_180] : memref<640x64xf32, #tpu.memory_space<vmem>> -> memref<128x64xf32, #tpu.memory_space<vmem>>
      %dma_wait3A_182 = arith.constant 0 : i32
      %dma_wait3A_183 = tpu.memref_slice %arg14[%add3A_97, %dma_wait3A_182] : memref<80x128xi32, #tpu.memory_space<vmem>> -> memref<1x128xi32, #tpu.memory_space<vmem>>
      %dma_wait3A_184 = tpu.memref_squeeze %dma_wait3A_183 : memref<1x128xi32, #tpu.memory_space<vmem>> -> memref<128xi32, #tpu.memory_space<vmem>>
      %dma_wait3A_185 = arith.constant 0 : i32
      %dma_wait3A_186 = arith.constant 0 : i32
      %dma_wait3A_187 = tpu.memref_slice %arg19[%dma_wait3A_185, %dma_wait3A_186] : memref<8192x64xf32, #tpu.memory_space<vmem_shared>> -> memref<8192x64xf32, #tpu.memory_space<vmem_shared>>
      tpu.wait_indirect_dma semaphore(%arg25 : memref<!tpu.dma_semaphore, #tpu.memory_space<semaphore_mem>>) src(%dma_wait3A_181 : memref<128x64xf32, #tpu.memory_space<vmem>>) dst(%dma_wait3A_187 : memref<8192x64xf32, #tpu.memory_space<vmem_shared>>)
      %dma_wait3A_188 = arith.constant 128 : i32
      %dma_wait3A_189 = arith.constant 0 : i32
      %dma_wait3A_190 = tpu.memref_slice %arg17[%dma_wait3A_188, %dma_wait3A_189] : memref<640x64xf32, #tpu.memory_space<vmem>> -> memref<128x64xf32, #tpu.memory_space<vmem>>
      %dma_wait3A_191 = arith.constant 0 : i32
      %dma_wait3A_192 = tpu.memref_slice %arg14[%add3A_115, %dma_wait3A_191] : memref<80x128xi32, #tpu.memory_space<vmem>> -> memref<1x128xi32, #tpu.memory_space<vmem>>
      %dma_wait3A_193 = tpu.memref_squeeze %dma_wait3A_192 : memref<1x128xi32, #tpu.memory_space<vmem>> -> memref<128xi32, #tpu.memory_space<vmem>>
      %dma_wait3A_194 = arith.constant 0 : i32
      %dma_wait3A_195 = arith.constant 0 : i32
      %dma_wait3A_196 = tpu.memref_slice %arg19[%dma_wait3A_194, %dma_wait3A_195] : memref<8192x64xf32, #tpu.memory_space<vmem_shared>> -> memref<8192x64xf32, #tpu.memory_space<vmem_shared>>
      tpu.wait_indirect_dma semaphore(%arg26 : memref<!tpu.dma_semaphore, #tpu.memory_space<semaphore_mem>>) src(%dma_wait3A_190 : memref<128x64xf32, #tpu.memory_space<vmem>>) dst(%dma_wait3A_196 : memref<8192x64xf32, #tpu.memory_space<vmem_shared>>)
      %dma_wait3A_197 = arith.constant 256 : i32
      %dma_wait3A_198 = arith.constant 0 : i32
      %dma_wait3A_199 = tpu.memref_slice %arg17[%dma_wait3A_197, %dma_wait3A_198] : memref<640x64xf32, #tpu.memory_space<vmem>> -> memref<128x64xf32, #tpu.memory_space<vmem>>
      %dma_wait3A_200 = arith.constant 0 : i32
      %dma_wait3A_201 = tpu.memref_slice %arg14[%add3A_133, %dma_wait3A_200] : memref<80x128xi32, #tpu.memory_space<vmem>> -> memref<1x128xi32, #tpu.memory_space<vmem>>
      %dma_wait3A_202 = tpu.memref_squeeze %dma_wait3A_201 : memref<1x128xi32, #tpu.memory_space<vmem>> -> memref<128xi32, #tpu.memory_space<vmem>>
      %dma_wait3A_203 = arith.constant 0 : i32
      %dma_wait3A_204 = arith.constant 0 : i32
      %dma_wait3A_205 = tpu.memref_slice %arg19[%dma_wait3A_203, %dma_wait3A_204] : memref<8192x64xf32, #tpu.memory_space<vmem_shared>> -> memref<8192x64xf32, #tpu.memory_space<vmem_shared>>
      tpu.wait_indirect_dma semaphore(%arg27 : memref<!tpu.dma_semaphore, #tpu.memory_space<semaphore_mem>>) src(%dma_wait3A_199 : memref<128x64xf32, #tpu.memory_space<vmem>>) dst(%dma_wait3A_205 : memref<8192x64xf32, #tpu.memory_space<vmem_shared>>)
      %dma_wait3A_206 = arith.constant 384 : i32
      %dma_wait3A_207 = arith.constant 0 : i32
      %dma_wait3A_208 = tpu.memref_slice %arg17[%dma_wait3A_206, %dma_wait3A_207] : memref<640x64xf32, #tpu.memory_space<vmem>> -> memref<128x64xf32, #tpu.memory_space<vmem>>
      %dma_wait3A_209 = arith.constant 0 : i32
      %dma_wait3A_210 = tpu.memref_slice %arg14[%add3A_151, %dma_wait3A_209] : memref<80x128xi32, #tpu.memory_space<vmem>> -> memref<1x128xi32, #tpu.memory_space<vmem>>
      %dma_wait3A_211 = tpu.memref_squeeze %dma_wait3A_210 : memref<1x128xi32, #tpu.memory_space<vmem>> -> memref<128xi32, #tpu.memory_space<vmem>>
      %dma_wait3A_212 = arith.constant 0 : i32
      %dma_wait3A_213 = arith.constant 0 : i32
      %dma_wait3A_214 = tpu.memref_slice %arg19[%dma_wait3A_212, %dma_wait3A_213] : memref<8192x64xf32, #tpu.memory_space<vmem_shared>> -> memref<8192x64xf32, #tpu.memory_space<vmem_shared>>
      tpu.wait_indirect_dma semaphore(%arg28 : memref<!tpu.dma_semaphore, #tpu.memory_space<semaphore_mem>>) src(%dma_wait3A_208 : memref<128x64xf32, #tpu.memory_space<vmem>>) dst(%dma_wait3A_214 : memref<8192x64xf32, #tpu.memory_space<vmem_shared>>)
      %dma_wait3A_215 = arith.constant 512 : i32
      %dma_wait3A_216 = arith.constant 0 : i32
      %dma_wait3A_217 = tpu.memref_slice %arg17[%dma_wait3A_215, %dma_wait3A_216] : memref<640x64xf32, #tpu.memory_space<vmem>> -> memref<128x64xf32, #tpu.memory_space<vmem>>
      %dma_wait3A_218 = arith.constant 0 : i32
      %dma_wait3A_219 = tpu.memref_slice %arg14[%add3A_169, %dma_wait3A_218] : memref<80x128xi32, #tpu.memory_space<vmem>> -> memref<1x128xi32, #tpu.memory_space<vmem>>
      %dma_wait3A_220 = tpu.memref_squeeze %dma_wait3A_219 : memref<1x128xi32, #tpu.memory_space<vmem>> -> memref<128xi32, #tpu.memory_space<vmem>>
      %dma_wait3A_221 = arith.constant 0 : i32
      %dma_wait3A_222 = arith.constant 0 : i32
      %dma_wait3A_223 = tpu.memref_slice %arg19[%dma_wait3A_221, %dma_wait3A_222] : memref<8192x64xf32, #tpu.memory_space<vmem_shared>> -> memref<8192x64xf32, #tpu.memory_space<vmem_shared>>
      tpu.wait_indirect_dma semaphore(%arg29 : memref<!tpu.dma_semaphore, #tpu.memory_space<semaphore_mem>>) src(%dma_wait3A_217 : memref<128x64xf32, #tpu.memory_space<vmem>>) dst(%dma_wait3A_223 : memref<8192x64xf32, #tpu.memory_space<vmem_shared>>)
    }
    %scan3A_25 = arith.constant 16 : i32
    %scan3A_26 = arith.constant 0 : i32
    %scan3A_27 = arith.constant 4 : i32
    %scan3A_28 = arith.addi %scan3A_26, %scan3A_27 : i32
    %scan3A_29 = arith.constant 1 : i32
    scf.for %scan3A_31 = %scan3A_26 to %scan3A_28 step %scan3A_29  : i32 {
      %mul3A_32 = arith.constant 1 : i32
      %mul3A_33 = arith.muli %scan3A_31, %mul3A_32 : i32
      %add3A_34 = arith.constant 0 : i32
      %add3A_35 = arith.addi %add3A_34, %mul3A_33 : i32
      %mul3A_36 = arith.constant 512 : i32
      %mul3A_37 = arith.muli %arg1, %mul3A_36 : i32
      %mul3A_38 = arith.constant 128 : i32
      %mul3A_39 = arith.muli %add3A_35, %mul3A_38 : i32
      %add3A_40 = arith.addi %mul3A_37, %mul3A_39 : i32
      %mul3A_41 = arith.constant 128 : i32
      %mul3A_42 = arith.muli %add3A_35, %mul3A_41 : i32
      %add3A_43 = arith.addi %mul3A_2, %mul3A_42 : i32
      "tpu.region"() ({
        %run_scoped3A = tpu.sem_alloc : memref<!tpu.dma_semaphore, #tpu.memory_space<semaphore_mem>>
        %dma_start3A = arith.constant 0 : i32
        %dma_start3A_44 = tpu.memref_slice %arg10[%add3A_43, %dma_start3A] : memref<16384x64xf32, #tpu.memory_space<hbm>> -> memref<128x64xf32, #tpu.memory_space<hbm>>
        %dma_start3A_45 = arith.constant 0 : i32
        %dma_start3A_46 = tpu.memref_slice %arg19[%add3A_40, %dma_start3A_45] : memref<8192x64xf32, #tpu.memory_space<vmem_shared>> -> memref<128x64xf32, #tpu.memory_space<vmem_shared>>
        tpu.enqueue_dma source(%dma_start3A_46 : memref<128x64xf32, #tpu.memory_space<vmem_shared>>) target(%dma_start3A_44 : memref<128x64xf32, #tpu.memory_space<hbm>>) target_semaphore(%run_scoped3A : memref<!tpu.dma_semaphore, #tpu.memory_space<semaphore_mem>>)
        %dma_wait3A = arith.constant 0 : i32
        %dma_wait3A_47 = tpu.memref_slice %arg10[%add3A_43, %dma_wait3A] : memref<16384x64xf32, #tpu.memory_space<hbm>> -> memref<128x64xf32, #tpu.memory_space<hbm>>
        %dma_wait3A_48 = arith.constant 0 : i32
        %dma_wait3A_49 = tpu.memref_slice %arg19[%add3A_40, %dma_wait3A_48] : memref<8192x64xf32, #tpu.memory_space<vmem_shared>> -> memref<128x64xf32, #tpu.memory_space<vmem_shared>>
        tpu.wait_dma2 semaphore(%run_scoped3A : memref<!tpu.dma_semaphore, #tpu.memory_space<semaphore_mem>>) src(%dma_wait3A_49 : memref<128x64xf32, #tpu.memory_space<vmem_shared>>) dst(%dma_wait3A_47 : memref<128x64xf32, #tpu.memory_space<hbm>>)
        tpu.yield
      }) : () -> ()
    }
    %scan3A_30 = arith.constant 4 : i32
    return
  }
}

module attributes {stable_mosaic.version = 14 : i64} {
  func.func @body(%arg0: i32, %arg1: memref<2048x64xf32, #tpu.memory_space<vmem>>, %arg2: memref<2048x64xf32, #tpu.memory_space<vmem>>, %arg3: memref<2048x64xf32, #tpu.memory_space<vmem>>, %arg4: memref<1x1xf32, #tpu.memory_space<vmem>>) attributes {dimension_semantics = [#tpu.dimension_semantics<arbitrary>], iteration_bounds = array<i64: 8>, scalar_prefetch = 0 : i64, scratch_operands = 0 : i64, tpu.core_type = #tpu.core_type<tc>, window_params = [{transform_indices = @transform_0, window_bounds = array<i64: 2048, 64>}, {transform_indices = @transform_1, window_bounds = array<i64: 2048, 64>}, {transform_indices = @transform_2, window_bounds = array<i64: 2048, 64>}, {pipeline_mode = #tpu.pipeline_mode<synchronous>, transform_indices = @transform_3, window_bounds = array<i64: 1, 1>}]} {
    %get3A = arith.constant 0 : index
    %get3A_0 = arith.constant 0 : index
    %get3A_1 = vector.load %arg1[%get3A, %get3A_0] : memref<2048x64xf32, #tpu.memory_space<vmem>>, vector<2048x64xf32>
    %get3A_2 = arith.constant 0 : index
    %get3A_3 = arith.constant 0 : index
    %get3A_4 = vector.load %arg2[%get3A_2, %get3A_3] : memref<2048x64xf32, #tpu.memory_space<vmem>>, vector<2048x64xf32>
    %mul3A = arith.mulf %get3A_4, %get3A_1 : vector<2048x64xf32>
    %reduce_sum3A = arith.constant dense<0.000000e+00> : vector<2048xf32>
    %reduce_sum3A_5 = vector.multi_reduction <add>, %mul3A, %reduce_sum3A [1] : vector<2048x64xf32> to vector<2048xf32>
    %broadcast_in_dim3A = vector.shape_cast %reduce_sum3A_5 : vector<2048xf32> to vector<2048x1xf32>
    %get3A_6 = arith.constant 0 : index
    %get3A_7 = arith.constant 0 : index
    %get3A_8 = vector.load %arg3[%get3A_6, %get3A_7] : memref<2048x64xf32, #tpu.memory_space<vmem>>, vector<2048x64xf32>
    %mul3A_9 = arith.mulf %get3A_8, %get3A_1 : vector<2048x64xf32>
    %reduce_sum3A_10 = arith.constant dense<0.000000e+00> : vector<2048xf32>
    %reduce_sum3A_11 = vector.multi_reduction <add>, %mul3A_9, %reduce_sum3A_10 [1] : vector<2048x64xf32> to vector<2048xf32>
    %broadcast_in_dim3A_12 = vector.shape_cast %reduce_sum3A_11 : vector<2048xf32> to vector<2048x1xf32>
    %neg3A = arith.constant 0.000000e+00 : f32
    %neg3A_13 = vector.broadcast %neg3A : f32 to vector<2048x1xf32>
    %neg3A_14 = arith.subf %neg3A_13, %broadcast_in_dim3A : vector<2048x1xf32>
    %custom_jvp_call3A = arith.constant 0.000000e+00 : f32
    %max3A = vector.broadcast %custom_jvp_call3A : f32 to vector<2048x1xf32>
    %max3A_15 = arith.maximumf %neg3A_14, %max3A : vector<2048x1xf32>
    %sub3A = vector.broadcast %custom_jvp_call3A : f32 to vector<2048x1xf32>
    %sub3A_16 = arith.subf %neg3A_14, %sub3A : vector<2048x1xf32>
    %ne3A = arith.cmpf one, %sub3A_16, %sub3A_16 : vector<2048x1xf32>
    %add3A = vector.broadcast %custom_jvp_call3A : f32 to vector<2048x1xf32>
    %add3A_17 = arith.addf %neg3A_14, %add3A : vector<2048x1xf32>
    %abs3A = math.absf %sub3A_16 : vector<2048x1xf32>
    %neg3A_18 = arith.constant 0.000000e+00 : f32
    %neg3A_19 = vector.broadcast %neg3A_18 : f32 to vector<2048x1xf32>
    %neg3A_20 = arith.subf %neg3A_19, %abs3A : vector<2048x1xf32>
    %exp3A = math.exp %neg3A_20 : vector<2048x1xf32>
    %log1p3A = math.log1p %exp3A : vector<2048x1xf32>
    %add3A_21 = arith.addf %max3A_15, %log1p3A : vector<2048x1xf32>
    %select_n3A = arith.select %ne3A, %add3A_17, %add3A_21 : vector<2048x1xi1>, vector<2048x1xf32>
    %neg3A_22 = arith.constant 0.000000e+00 : f32
    %neg3A_23 = vector.broadcast %neg3A_22 : f32 to vector<2048x1xf32>
    %neg3A_24 = arith.subf %neg3A_23, %select_n3A : vector<2048x1xf32>
    %neg3A_25 = arith.constant 0.000000e+00 : f32
    %neg3A_26 = vector.broadcast %neg3A_25 : f32 to vector<2048x1xf32>
    %neg3A_27 = arith.subf %neg3A_26, %broadcast_in_dim3A_12 : vector<2048x1xf32>
    %neg3A_28 = arith.constant 0.000000e+00 : f32
    %neg3A_29 = vector.broadcast %neg3A_28 : f32 to vector<2048x1xf32>
    %neg3A_30 = arith.subf %neg3A_29, %neg3A_27 : vector<2048x1xf32>
    %custom_jvp_call3A_31 = arith.constant 0.000000e+00 : f32
    %max3A_32 = vector.broadcast %custom_jvp_call3A_31 : f32 to vector<2048x1xf32>
    %max3A_33 = arith.maximumf %neg3A_30, %max3A_32 : vector<2048x1xf32>
    %sub3A_34 = vector.broadcast %custom_jvp_call3A_31 : f32 to vector<2048x1xf32>
    %sub3A_35 = arith.subf %neg3A_30, %sub3A_34 : vector<2048x1xf32>
    %ne3A_36 = arith.cmpf one, %sub3A_35, %sub3A_35 : vector<2048x1xf32>
    %add3A_37 = vector.broadcast %custom_jvp_call3A_31 : f32 to vector<2048x1xf32>
    %add3A_38 = arith.addf %neg3A_30, %add3A_37 : vector<2048x1xf32>
    %abs3A_39 = math.absf %sub3A_35 : vector<2048x1xf32>
    %neg3A_40 = arith.constant 0.000000e+00 : f32
    %neg3A_41 = vector.broadcast %neg3A_40 : f32 to vector<2048x1xf32>
    %neg3A_42 = arith.subf %neg3A_41, %abs3A_39 : vector<2048x1xf32>
    %exp3A_43 = math.exp %neg3A_42 : vector<2048x1xf32>
    %log1p3A_44 = math.log1p %exp3A_43 : vector<2048x1xf32>
    %add3A_45 = arith.addf %max3A_33, %log1p3A_44 : vector<2048x1xf32>
    %select_n3A_46 = arith.select %ne3A_36, %add3A_38, %add3A_45 : vector<2048x1xi1>, vector<2048x1xf32>
    %neg3A_47 = arith.constant 0.000000e+00 : f32
    %neg3A_48 = vector.broadcast %neg3A_47 : f32 to vector<2048x1xf32>
    %neg3A_49 = arith.subf %neg3A_48, %select_n3A_46 : vector<2048x1xf32>
    %add3A_50 = arith.addf %neg3A_24, %neg3A_49 : vector<2048x1xf32>
    %reduce_sum3A_51 = vector.shape_cast %add3A_50 : vector<2048x1xf32> to vector<1x2048x1xf32>
    %reduce_sum3A_52 = arith.constant dense<0.000000e+00> : vector<1xf32>
    %reduce_sum3A_53 = vector.multi_reduction <add>, %reduce_sum3A_51, %reduce_sum3A_52 [1, 2] : vector<1x2048x1xf32> to vector<1xf32>
    %reduce_sum3A_54 = vector.shape_cast %reduce_sum3A_53 : vector<1xf32> to vector<1x1x1xf32>
    %reduce_sum3A_55 = vector.extract %reduce_sum3A_54[0, 0, 0] : f32 from vector<1x1x1xf32>
    %neg3A_56 = arith.constant 0.000000e+00 : f32
    %neg3A_57 = arith.subf %neg3A_56, %reduce_sum3A_55 : f32
    %div3A = arith.constant 1.638400e+04 : f32
    %div3A_58 = arith.divf %neg3A_57, %div3A : f32
    %broadcast_in_dim3A_59 = vector.broadcast %div3A_58 : f32 to vector<1x1xf32>
    %eq3A = arith.constant 0 : i32
    %eq3A_60 = arith.cmpi eq, %arg0, %eq3A : i32
    %convert_element_type3A = arith.extui %eq3A_60 : i1 to i32
    %cond3A = arith.constant 0 : i32
    %cond3A_61 = arith.cmpi ne, %convert_element_type3A, %cond3A : i32
    scf.if %cond3A_61 {
      %broadcast_in_dim3A_68 = arith.constant 0.000000e+00 : f32
      %broadcast_in_dim3A_69 = vector.broadcast %broadcast_in_dim3A_68 : f32 to vector<1x1xf32>
      %swap3A_70 = arith.constant 0 : index
      %swap3A_71 = arith.constant 0 : index
      %swap3A_72 = vector.load %arg4[%swap3A_70, %swap3A_71] : memref<1x1xf32, #tpu.memory_space<vmem>>, vector<1x1xf32>
      tpu.vector_store %arg4[%swap3A_70, %swap3A_71], %broadcast_in_dim3A_69 {strides = array<i32>} : memref<1x1xf32, #tpu.memory_space<vmem>>, vector<1x1xf32>,
    } else {
    }
    %get3A_62 = arith.constant 0 : index
    %get3A_63 = arith.constant 0 : index
    %get3A_64 = vector.load %arg4[%get3A_62, %get3A_63] : memref<1x1xf32, #tpu.memory_space<vmem>>, vector<1x1xf32>
    %add3A_65 = arith.addf %get3A_64, %broadcast_in_dim3A_59 : vector<1x1xf32>
    %swap3A = arith.constant 0 : index
    %swap3A_66 = arith.constant 0 : index
    %swap3A_67 = vector.load %arg4[%swap3A, %swap3A_66] : memref<1x1xf32, #tpu.memory_space<vmem>>, vector<1x1xf32>
    tpu.vector_store %arg4[%swap3A, %swap3A_66], %add3A_65 {strides = array<i32>} : memref<1x1xf32, #tpu.memory_space<vmem>>, vector<1x1xf32>,
    return
  }
  func.func @transform_0(%arg0: i32) -> (i32, i32) {
    %c0_i32 = arith.constant 0 : i32
    %c0_i32_0 = arith.constant 0 : i32
    return %arg0, %c0_i32 : i32, i32
  }
  func.func @transform_1(%arg0: i32) -> (i32, i32) {
    %c0_i32 = arith.constant 0 : i32
    %c0_i32_0 = arith.constant 0 : i32
    return %arg0, %c0_i32 : i32, i32
  }
  func.func @transform_2(%arg0: i32) -> (i32, i32) {
    %c0_i32 = arith.constant 0 : i32
    %c0_i32_0 = arith.constant 0 : i32
    return %arg0, %c0_i32 : i32, i32
  }
  func.func @transform_3(%arg0: i32) -> (i32, i32) {
    %c0_i32 = arith.constant 0 : i32
    %c0_i32_0 = arith.constant 0 : i32
    %c0_i32_1 = arith.constant 0 : i32
    return %c0_i32, %c0_i32_0 : i32, i32
  }
}

</mosaic_0001>

<sc_bundles>
// kernel: kernel.4.cloned.1.call-start
scs
__scs_entry_jumppad:
0x0: {  	(pc) =	sbr.rel $0x88, $3  }
0x1: {  	(tag) =	ssettag $0x0;
	lr =	simm.s32 $0x1  }
0x2: {  	[smem:$0x3F9C] =	sst lr;
	_ =	strace $0xD0000000  }
0x3: {  	_ = 	snop  }
0x4: {  	_ = 	snop  }
0x5: {  	_ = 	snop  }
0x6: {  	_ = 	snop  }
0x7: {  	_ = 	snop  }
__scs_overlays_trampoline_lowered:
0x8: {  	[smem:$0x3FAB] =	sst s0  }
0x9: {  	[smem:$0x3FAC] =	sst s1  }
0xa: {  	[smem:$0x3FAD] =	sst s2  }
0xb: {  	[smem:$0x3FAE] =	sst s3  }
0xc: {  	[smem:$0x3FAF] =	sst s4  }
0xd: {  	[smem:$0x3FB0] =	sst s5  }
0xe: {  	[smem:$0x3FB1] =	sst s6  }
0xf: {  	[smem:$0x3FB2] =	sst s7  }
0x10: {  	[smem:$0x3FB3] =	sst s8  }
0x11: {  	[smem:$0x3FB4] =	sst s9;
	s0 =	simm.s32 @!p0 $0x0  }
0x12: {  	s1 =	sld [smem:$0x3F9A];
	s0 =	simm.s32 @p0 $0x1  }
0x13: {  	[smem:$0x3FB5] =	sst s0;
	s0 =	simm.s32 @!p1 $0x0  }
0x14: {  	s2 =	sld [smem:$0x3F99];
	s0 =	simm.s32 @p1 $0x1  }
0x15: {  	[smem:$0x3FB6] =	sst s0;
	s0 =	simm.s32 @!p2 $0x0  }
0x16: {  	s3 =	sld [smem:$0x3FDB];
	s0 =	simm.s32 @p2 $0x1  }
0x17: {  	s4 =	simm.s32 $0x1BF5;
	[smem:$0x3FB8] =	sst s0  }
0x18: {  	s0 =	sld [smem:$0x3F9B];
	_ =	swait.ge [sflag:s4], $0x0  }
0x19: {  	s7 =	sld [smem:$0x3F9C]  }
0x1a: {  	s8 =	sadd.s32 $0xFFFFE003, lr  }
0x1b: {  	s9 =	sadd.s32 $0xFFFFFEF7, lr;
	s5 =	simm.s32 $0xFFFFFFFF;
	p2 =	slt.u32 s8, $0xFFFFF086  }
0x1c: {  	p1 =	slt.u32 s9, $0xF7A;
	s5 =	simm.s32 @!p2 $0x0  }
0x1d: {  	s5 =	simm.s32 @p1 $0x1;
	p0 =	seq.s32 s7, s2  }
0x1e: {  	s7 =	smul.u32 @!p0 $0xF7A, s2;
	p2 =	seq.s32 @!p0 s5, $0x0  }
0x1f: {  	s9 =	smul.u32 $0xF7A, s1;
	s8 =	simm.s32 @!p0 $0x1BF5;
	p2 =	por !p2, p0  }
0x20: {  	[sflag:s8] =	ssyncset.s32 @!p0 $0xFFFFF086;
	s6 =	sadd.s32 @!p0 s3, s7;
	s7 =	simm.s32 @!p0 $0x108  }
0x21: {  	s3 =	sadd.s32 s3, s9;
	s6 =	sadd.s32 @!p0 $0x88, s6;
	s7 =	simm.s32 @p2 $0x1082  }
0x22: {  	[simem:s7], [sflag:s8] =	dma.local @!p0 [hbm:s6], $0xF7A  }
0x23: {  	s9 =	sor.u32 $0xD0000000, s2;
	s6 =	simm.s32 $0x108;
	_ =	swait.ge @!p0 [sflag:s8], $0x0  }
0x24: {  	s3 =	sadd.s32 $0x88, s3;
	s6 =	simm.s32 @!p1 $0x1082;
	[sflag:s4] =	ssyncset.s32 $0xFFFFF086  }
0x25: {  	[simem:s6], [sflag:s4] =	dma.local [hbm:s3], $0xF7A  }
0x26: {  	[smem:$0x3F9C] =	sst s1;
	(tag) =	ssettag s2;
	_ =	strace s9  }
0x27: {  	s1 =	sld [smem:$0x3FAC]  }
0x28: {  	s2 =	sld [smem:$0x3FAD]  }
0x29: {  	s4 =	sld [smem:$0x3FAF]  }
0x2a: {  	p0 =	seq.s32 s5, $0x0;
	s5 =	sld [smem:$0x3FB0]  }
0x2b: {  	s6 =	sld [smem:$0x3FB1]  }
0x2c: {  	s7 =	sld [smem:$0x3FB2]  }
0x2d: {  	s3 =	simm.s32 $0x108;
	s8 =	sld [smem:$0x3FB3]  }
0x2e: {  	s3 =	simm.s32 @!p0 $0x1082;
	s9 =	sld [smem:$0x3FB4]  }
0x2f: {  	lr =	sadd.s32 s0, s3;
	s0 =	sld [smem:$0x3FAB]  }
0x30: {  	s3 =	sld [smem:$0x3FAE]  }
0x31: {  	[smem:$0x3FB7] =	sst s10  }
0x32: {  	s10 =	sld [smem:$0x3FB5];
	_ =	sdelay $0x3  }
0x33: {  	p0 =	seq.s32 s10, $0x1;
	s10 =	sld [smem:$0x3FB7];
	_ =	sdelay $0x3  }
0x34: {  	[smem:$0x3FB7] =	sst s10  }
0x35: {  	s10 =	sld [smem:$0x3FB6];
	_ =	sdelay $0x3  }
0x36: {  	p1 =	seq.s32 s10, $0x1;
	s10 =	sld [smem:$0x3FB7];
	_ =	sdelay $0x3  }
0x37: {  	[smem:$0x3FB7] =	sst s10  }
0x38: {  	s10 =	sld [smem:$0x3FB8]  }
0x39: {  	_ = 	snop;
	(pc) =	sbr.ind lr, $3  }
0x3a: {  	_ = 	snop  }
0x3b: {  	_ = 	snop  }
0x3c: {  	p2 =	seq.s32 s10, $0x1;
	s10 =	sld [smem:$0x3FB7]  }
0x3d: {  	_ =	shalt  }
0x3e: {  	_ =	shalt  }
0x3f: {  	_ =	shalt  }
0x40: {  	_ =	shalt  }
0x41: {  	_ =	shalt  }
0x42: {  	_ =	shalt  }
0x43: {  	_ =	shalt  }
0x44: {  	_ =	shalt  }
0x45: {  	_ =	shalt  }
0x46: {  	_ =	shalt  }
0x47: {  	_ =	shalt  }
0x48: {  	_ =	shalt  }
0x49: {  	_ =	shalt  }
0x4a: {  	_ =	shalt  }
0x4b: {  	_ =	shalt  }
0x4c: {  	_ =	shalt  }
0x4d: {  	_ =	shalt  }
0x4e: {  	_ =	shalt  }
0x4f: {  	_ =	shalt  }
0x50: {  	_ =	shalt  }
0x51: {  	_ =	shalt  }
0x52: {  	_ =	shalt  }
0x53: {  	_ =	shalt  }
0x54: {  	_ =	shalt  }
0x55: {  	_ =	shalt  }
0x56: {  	_ =	shalt  }
0x57: {  	_ =	shalt  }
0x58: {  	_ =	shalt  }
0x59: {  	_ =	shalt  }
0x5a: {  	_ =	shalt  }
0x5b: {  	_ =	shalt  }
0x5c: {  	_ =	shalt  }
0x5d: {  	_ =	shalt  }
0x5e: {  	_ =	shalt  }
0x5f: {  	_ =	shalt  }
0x60: {  	_ =	shalt  }
0x61: {  	_ =	shalt  }
0x62: {  	_ =	shalt  }
0x63: {  	_ =	shalt  }
0x64: {  	_ =	shalt  }
0x65: {  	_ =	shalt  }
0x66: {  	_ =	shalt  }
0x67: {  	_ =	shalt  }
0x68: {  	_ =	shalt  }
0x69: {  	_ =	shalt  }
0x6a: {  	_ =	shalt  }
0x6b: {  	_ =	shalt  }
0x6c: {  	_ =	shalt  }
0x6d: {  	_ =	shalt  }
0x6e: {  	_ =	shalt  }
0x6f: {  	_ =	shalt  }
0x70: {  	_ =	shalt  }
0x71: {  	_ =	shalt  }
0x72: {  	_ =	shalt  }
0x73: {  	_ =	shalt  }
0x74: {  	_ =	shalt  }
0x75: {  	_ =	shalt  }
0x76: {  	_ =	shalt  }
0x77: {  	_ =	shalt  }
0x78: {  	_ =	shalt  }
0x79: {  	_ =	shalt  }
0x7a: {  	_ =	shalt  }
0x7b: {  	_ =	shalt  }
0x7c: {  	_ =	shalt  }
0x7d: {  	_ =	shalt  }
0x7e: {  	_ =	shalt  }
0x7f: {  	_ =	shalt  }
0x80: {  	_ =	shalt  }
0x81: {  	_ =	shalt  }
0x82: {  	_ =	shalt  }
0x83: {  	_ =	shalt  }
0x84: {  	_ =	shalt  }
0x85: {  	_ =	shalt  }
0x86: {  	_ =	shalt  }
0x87: {  	_ =	shalt  }
.Lfunc_end0:
.L_simem_size_0:
called_computation_lowered:
.L_overlay_start_0:
0x88: {  	s2 =	sld [smem:$0x3FD9]  }
0x89: {  	s3 =	sld [smem:$0x3FFE];
	_ =	sdelay $0x1  }
0x8a: {  	s1 =	srdreg.scid  }
0x8b: {  	s0 =	sand.u32 $0x1, s1  }
0x8c: {  	s17 =	sshll.u32 s0, $0xA;
	s2 =	sadd.s32 s3, s2  }
0x8d: {  	s2 =	sadd.s32 s2, s17  }
0x8e: {  	[smem:$0x3FC3] =	sst s2  }
0x8f: {  	_ = 	snop  }
0x90: {  	s2 =	sld [smem:$0x3FC9]  }
0x91: {  	s18 =	sld [smem:$0x3FC8];
	(tm) =	ssettm $0x1  }
0x92: {  	s4 =	sld [smem:$0x3FFB];
	_ =	sdelay $0x3  }
0x93: {  	_ =	strace s4  }
0x94: {  	s4 =	sld [smem:$0x3FFC];
	_ =	sdelay $0x3  }
0x95: {  	_ =	strace s4  }
0x96: {  	s4 =	sld [smem:$0x3FFD];
	_ =	sdelay $0x3  }
0x97: {  	_ =	strace s4  }
0x98: {  	_ =	strace $0x8FFFFFFF  }
0x99: {  	s19 =	sld [smem:$0x3FDB];
	_ =	sdelay $0x1  }
0x9a: {  	s5 =	simm.s32 $_scs_section_size  }
0x9b: {  	s6 =	simm.s32 $_size__tile_overlayer_lowered;
	s7 =	simm.s32 $_tile_overlayer_lowered  }
0x9c: {  	s22 =	simm.s32 $0x1BFF;
	s21 =	sshll.u32 s7, $0x1;
	s4 =	sadd.s32 s5, s19  }
0x9d: {  	s8 =	simm.s32 $0x0;
	s20 =	sshll.u32 s6, $0x1;
	s6 =	sadd.s32 s21, s4  }
0x9e: {  	[timem:s8], [sflag:s22] =	dma.local [hbm:s6], s20  }
0x9f: {  	_ =	swait.ge [sflag:s22], s20  }
0xa0: {  	s5 =	ssub.s32 $0x0, s20;
	[sflag:s22] =	ssyncset.done $0x0  }
0xa1: {  	[sflag:s22] =	ssyncadd.s32 s5;
	_ =	sdelay $0x1  }
0xa2: {  	s23 =	simm.s32 $0x1B8B  }
0xa3: {  	_ =	swait.ge [sflag:s23], $0x1  }
0xa4: {  	[sflag:s23] =	ssyncset.done $0x0  }
0xa5: {  	s25 =	simm.s32 $0x1B8E;
	s24 =	sld [smem:$0x3FFE];
	[sflag:s23] =	ssyncadd.s32 $0xFFFFFFFF  }
0xa6: {  	s26 =	simm.s32 $execute0_lowered;
	[smem:$0x3FD2] =	sst s25  }
0xa7: {  	s6 =	sshll.u32 s26, $0x1;
	_ =	strace $0x80000046;
	[dreg:$0x1] =	wrdreg $0xFFFFFFFF  }
0xa8: {  	s28 =	simm.s32 $_size_execute0_lowered;
	s4 =	sadd.s32 s4, s6;
	[dreg:$0x0] =	wrdreg $0x0  }
0xa9: {  	s6 =	sshll.u32 s28, $0x1;
	[dreg:$0x2] =	wrdreg s4  }
0xaa: {  	[dreg:$0x3] =	wrdreg s6  }
0xab: {  	[dreg:$0x4] =	wrdreg $0xC0  }
0xac: {  	_ =	task [dreg:s8], $0x5FFFF  }
0xad: {  	[dreg:$0x1] =	wrdreg $0xFFFFFFFF  }
0xae: {  	[dreg:$0x0] =	wrdreg $0x60  }
0xaf: {  	[dreg:$0x2] =	wrdreg s2  }
0xb0: {  	[dreg:$0x3] =	wrdreg s18  }
0xb1: {  	[dreg:$0x4] =	wrdreg s24  }
0xb2: {  	[dreg:$0x5] =	wrdreg $0x154000  }
0xb3: {  	[dreg:$0x6] =	wrdreg $0x9  }
0xb4: {  	_ =	task.clear_ibuf [dreg:s8], $0x7FFFF;
	_ =	strace $0x90000046  }
0xb5: {  	s29 =	simm.s32 $0x9;
	_ =	strace $0x80000048  }
0xb6: {  	_ =	swait.ge [sflag:s29], $0x1  }
0xb7: {  	[sflag:s29] =	ssyncadd.s32 $0xFFFFFFFF  }
0xb8: {  	_ =	strace $0x90000048  }
0xb9: {  	_ =	sfence  }
0xba: {  	s30 =	sld [smem:$0x0];
	_ =	sdelay $0x2  }
0xbb: {  	s31 =	sshll.u32 s1, $0xD;
	s1 =	sshrl.u32 s1, $0x2  }
0xbc: {  	s3 =	sand.u32 $0x4000, s31;
	s1 =	sadd.s32 s1, s30  }
0xbd: {  	s0 =	sor.u32 s3, s0;
	s1 =	sshll.u32 s1, $0x11  }
0xbe: {  	s0 =	sor.u32 s1, s0  }
0xbf: {  	s0 =	sadd.s32 $0x8F2B, s0  }
0xc0: {  	[sflag:s0] =	ssyncadd.remote.s32 $0x1  }
0xc1: {  	_ =	sfence.sel $0xFFFF  }
0xc2: {  	[dreg:$0x0] =	wrdreg $0xFFFFFFFF;
	(pc) =	sbr.abs _section_cstart, $3  }
0xc3: {  	[dreg:$0x1] =	wrdreg $0xFFFFFFFF  }
0xc4: {  	_ =	task.clear_ibuf [dreg:s8], $0x2FFFF;
	_ =	strace $0x9FFFFFFF  }
0xc5: {  	(tm) =	ssettm $0x7FFFFFFF  }
tec
execute0_lowered:
.L_overlay_start_1:
0x0: {  	(tag) =	ssettag $0x1  }
0x1: {  	s0 =	rddreg [dreg:$0x0]  }
0x2: {  	s1 =	rddreg [dreg:$0x1]  }
0x3: {  	s6 =	rddreg [dreg:$0x2];
	s3 =	srdreg.scid  }
0x4: {  	s14 =	stileid.u32;
	s2 =	rddreg [dreg:$0x3]  }
0x5: {  	s29 =	simm.s32 $0xB;
	s31 =	simm.s32 $0x5400;
	s30 =	simm.s32 $0xA  }
0x6: {  	s7 =	sand.u32 $0x1, s3;
	s4 =	sshll.u32 s14, $0x1;
	s3 =	simm.s32 $0x0  }
0x7: {  	s10 =	sadd.s32 $0x55000, s6;
	s11 =	sadd.s32 $0x35000, s6;
	s14 =	sshll.u32 s14, $0xF  }
0x8: {  	s8 =	sor.u32 s7, s4;
	[smem:$0x7FF] =	sst s3;
	s4 =	sadd.s32 $0x16E4E00, s6  }
0x9: {  	s7 =	ssub.s32 $0x2, s7;
	s5 =	smul.u32 $0x500, s8;
	_ =	strace $0x80000047  }
0xa: {  	s12 =	sshll.u32 s8, $0xC;
	s23 =	sshrl.u32 s7, $0x1;
	s8 =	sshll.u32 s8, $0x6  }
0xb: {  	s13 =	sadd.s32 s12, s6;
	s7 =	ssub.s32 s7, s23;
	s0 =	sadd.s32 s0, s8  }
0xc: {  	s24 =	sadd.s32 s1, s8;
	s15 =	sadd.s32 s10, s12;
	s16 =	sadd.s32 s11, s12  }
0xd: {  	s18 =	sor.u32 $0x800, s12;
	s19 =	sor.u32 $0xC00, s12;
	[dreg:$0x5] =	wrdreg s0  }
0xe: {  	s9 =	sadd.s32 s5, s6;
	s5 =	sadd.s32 $0xF43C00, s6;
	[dreg:$0x6] =	wrdreg s24  }
0xf: {  	s6 =	sadd.s32 s14, s2;
	s1 =	sadd.s32 $0x15000, s13;
	[dreg:$0xc] =	wrdreg s15  }
0x10: {  	s8 =	smax.u32 s7, $0x1;
	s14 =	sor.u32 $0x400, s12;
	[dreg:$0xd] =	wrdreg s16  }
0x11: {  	s20 =	sadd.s32 s10, s18;
	s21 =	sadd.s32 s10, s19;
	[dreg:$0x9] =	wrdreg s1  }
0x12: {  	s22 =	sadd.s32 s11, s19;
	s23 =	sadd.s32 $0x15400, s13;
	[dreg:$0xa] =	wrdreg s8  }
0x13: {  	s24 =	sadd.s32 $0x15800, s13;
	s7 =	simm.s32 $0x9400;
	[dreg:$0x10] =	wrdreg s20  }
0x14: {  	s12 =	simm.s32 $0x1;
	s15 =	simm.s32 $0x2;
	[dreg:$0x12] =	wrdreg s21  }
0x15: {  	s16 =	simm.s32 $0x3;
	s19 =	simm.s32 $0x6;
	[dreg:$0x13] =	wrdreg s22  }
0x16: {  	s25 =	sadd.s32 $0xB000, s9;
	s26 =	sadd.s32 $0x1000, s9;
	[dreg:$0x14] =	wrdreg s23  }
0x17: {  	s9 =	sadd.s32 $0x4000, s6;
	s17 =	sadd.s32 s10, s14;
	[dreg:$0x15] =	wrdreg s24  }
0x18: {  	s0 =	sadd.s32 s11, s14;
	s28 =	smov.u32 s6;
	[dreg:$0x7] =	wrdreg s25  }
0x19: {  	s1 =	simm.s32 $0x7400;
	s8 =	simm.s32 $0xB400;
	[dreg:$0x8] =	wrdreg s26  }
0x1a: {  	s10 =	simm.s32 $0xF400;
	s20 =	simm.s32 $0x7;
	[dreg:$0xb] =	wrdreg s9  }
0x1b: {  	s21 =	simm.s32 $0x8;
	s22 =	simm.s32 $0x9;
	[dreg:$0xe] =	wrdreg s17  }
0x1c: {  	s25 =	sadd.s32 $0x2000, s6;
	[dreg:$0xf] =	wrdreg s0;
	s0 =	sadd.s32 s11, s18  }
0x1d: {  	s26 =	sadd.s32 $0x15C00, s13;
	s9 =	simm.s32 $0xD400;
	s11 =	simm.s32 $0x11400  }
0x1e: {  	s17 =	simm.s32 $0x4;
	s18 =	simm.s32 $0x5;
	[dreg:$0x11] =	wrdreg s0  }
0x1f: {  	v0 =	vimm.f32 $0.0e+00;
	[dreg:$0x16] =	wrdreg s26;
	s26 =	sadd.s32 $0x6000, s6;
	s0 =	simm.s32 $0x80  }
.LBB2_1:
0x20: {  	s24 =	simm.s32 $0x100;
	s23 =	simm.s32 $0x0  }
.LBB2_2:
0x21: {  	p0 =	sne.s32 s24, $0x7F00;
	[tilespmem:s23+$0x13430] =	vst v0;
	s13 =	smov.u32 s24;
	s24 =	sadd.s32 $0x100, s24  }
.Ltmp0:
0x22: {  	[tilespmem:s23+$0x13420] =	vst v0;
	(pc) =	sbr.rel @p0 .LBB2_2-.Ltmp0, $3  }
0x23: {  	[tilespmem:s23+$0x13400] =	vst v0  }
0x24: {  	[tilespmem:s23+$0x13410] =	vst v0;
	_ =	sdelay $0x1  }
0x25: {  	s23 =	sshra.s32 s13, $0x2  }
0x26: {  	[tilespmem:s23+$0x13430] =	vst v0  }
0x27: {  	[tilespmem:s23+$0x13420] =	vst v0  }
0x28: {  	[tilespmem:s23+$0x13400] =	vst v0  }
0x29: {  	[tilespmem:s23+$0x13410] =	vst v0;
	s14 =	simm.s32 $0x13400  }
0x2a: {  	[spmem:s28] =	stream.linear.scatter [tilespmem:s14], [sflag:$0xB], $0x2000, $0x38;
	[tilespmem:$0x1D400] =	vst v63  }
0x2b: {  	_ =	swait.ge [sflag:s29], $0x2000  }
0x2c: {  	[sflag:s29] =	ssyncset.done $0x0  }
0x2d: {  	[sflag:s29] =	ssyncadd.s32 $0xFFFFE000  }
0x2e: {  	[spmem:s25] =	stream.linear.scatter [tilespmem:s14], [sflag:$0xB], $0x2000, $0x38;
	[tilespmem:$0x1D400] =	vst v63  }
0x2f: {  	_ =	swait.ge [sflag:s29], $0x2000  }
0x30: {  	[sflag:s29] =	ssyncset.done $0x0  }
0x31: {  	s13 =	rddreg [dreg:$0xb];
	[sflag:s29] =	ssyncadd.s32 $0xFFFFE000  }
0x32: {  	[spmem:s13] =	stream.linear.scatter [tilespmem:s14], [sflag:$0xB], $0x2000, $0x38;
	[tilespmem:$0x1D400] =	vst v63  }
0x33: {  	_ =	swait.ge [sflag:s29], $0x2000  }
0x34: {  	[sflag:s29] =	ssyncset.done $0x0  }
0x35: {  	[sflag:s29] =	ssyncadd.s32 $0xFFFFE000  }
0x36: {  	[spmem:s26] =	stream.linear.scatter [tilespmem:s14], [sflag:$0xB], $0x2000, $0x38;
	[tilespmem:$0x1D400] =	vst v63  }
0x37: {  	_ =	swait.ge [sflag:s29], $0x2000  }
0x38: {  	[sflag:s29] =	ssyncset.done $0x0  }
0x39: {  	s23 =	simm.s32 $0x0;
	s14 =	rddreg [dreg:$0x5];
	[sflag:s29] =	ssyncadd.s32 $0xFFFFE000  }
0x3a: {  	[tilespmem:s23], [sflag:$0xB] =	stream.linear.gather [hbm4b:s14+s23], $0x200, $0x38;
	[tilespmem:$0x1D400] =	vst v63  }
0x3b: {  	_ =	swait.ge [sflag:s29], $0x200  }
0x3c: {  	[sflag:s29] =	ssyncset.done $0x0  }
0x3d: {  	s14 =	simm.s32 $0x200;
	s24 =	rddreg [dreg:$0x6];
	[sflag:s29] =	ssyncadd.s32 $0xFFFFFE00  }
0x3e: {  	[tilespmem:s14], [sflag:$0xB] =	stream.linear.gather [hbm4b:s24+s23], $0x200, $0x38;
	[tilespmem:$0x1D400] =	vst v63  }
0x3f: {  	_ =	swait.ge [sflag:s29], $0x200  }
0x40: {  	s6 =	smov.u32 s25;
	[sflag:s29] =	ssyncset.done $0x0  }
0x41: {  	s24 =	simm.s32 $0x400;
	s25 =	rddreg [dreg:$0x7];
	[sflag:s29] =	ssyncadd.s32 $0xFFFFFE00  }
0x42: {  	[tilespmem:s24], [sflag:$0xB] =	stream.linear.gather [hbm4b:s25+s23], $0x2800, $0x38;
	[tilespmem:$0x1D400] =	vst v63  }
0x43: {  	_ =	swait.ge [sflag:s29], $0x2800  }
0x44: {  	[sflag:s29] =	ssyncset.done $0x0  }
0x45: {  	s25 =	simm.s32 $0x2C00;
	s24 =	rddreg [dreg:$0x8];
	[sflag:s29] =	ssyncadd.s32 $0xFFFFD800  }
0x46: {  	[tilespmem:s25], [sflag:$0xB] =	stream.linear.gather [hbm4b:s24+s23], $0x2800, $0x38;
	[tilespmem:$0x1D400] =	vst v63  }
0x47: {  	_ =	swait.ge [sflag:s29], $0x2800  }
0x48: {  	[sflag:s29] =	ssyncset.done $0x0  }
0x49: {  	[sflag:s29] =	ssyncadd.s32 $0xFFFFD800  }
0x4a: {  	[tilespmem:s31], [sflag:$0xB] =	stream.indirect.gather [hbm4b:s4+s0], $0x40, s23, s0, $0xb8;
	[tilespmem:$0x1D400] =	vst v63  }
0x4b: {  	_ =	swait.ge [sflag:s29], $0x2000  }
0x4c: {  	[sflag:s29] =	ssyncset.done $0x0  }
0x4d: {  	s25 =	rddreg [dreg:$0xc];
	[sflag:s29] =	ssyncadd.s32 $0xFFFFE000  }
0x4e: {  	[hbm4b:s25+s23] =	stream.linear.scatter [tilespmem:s31], [sflag:$0xB], $0x2000, $0x38;
	[tilespmem:$0x1D400] =	vst v63  }
0x4f: {  	_ =	swait.ge [sflag:s29], $0x2000  }
0x50: {  	[sflag:s29] =	ssyncset.done $0x0  }
0x51: {  	[sflag:s29] =	ssyncadd.s32 $0xFFFFE000  }
0x52: {  	[tilespmem:s1], [sflag:$0xB] =	stream.indirect.gather [hbm4b:s5+s0], $0x40, s14, s0, $0xb8;
	[tilespmem:$0x1D400] =	vst v63  }
0x53: {  	_ =	swait.ge [sflag:s29], $0x2000  }
0x54: {  	[sflag:s29] =	ssyncset.done $0x0  }
0x55: {  	s24 =	rddreg [dreg:$0xd];
	[sflag:s29] =	ssyncadd.s32 $0xFFFFE000  }
0x56: {  	[hbm4b:s24+s23] =	stream.linear.scatter [tilespmem:s1], [sflag:$0xB], $0x2000, $0x38;
	[tilespmem:$0x1D400] =	vst v63  }
0x57: {  	_ =	swait.ge [sflag:s29], $0x2000  }
0x58: {  	[sflag:s29] =	ssyncset.done $0x0  }
0x59: {  	[sflag:s29] =	ssyncadd.s32 $0xFFFFE000  }
0x5a: {  	[tilespmem:s31], [sflag:$0xB] =	stream.indirect.gather [hbm4b:s4+s0], $0x40, s0, s0, $0xb8;
	[tilespmem:$0x1D400] =	vst v63  }
0x5b: {  	_ =	swait.ge [sflag:s29], $0x2000  }
0x5c: {  	[sflag:s29] =	ssyncset.done $0x0  }
0x5d: {  	s25 =	rddreg [dreg:$0xe];
	[sflag:s29] =	ssyncadd.s32 $0xFFFFE000  }
0x5e: {  	[hbm4b:s25+s23] =	stream.linear.scatter [tilespmem:s31], [sflag:$0xB], $0x2000, $0x38;
	[tilespmem:$0x1D400] =	vst v63  }
0x5f: {  	_ =	swait.ge [sflag:s29], $0x2000  }
0x60: {  	[sflag:s29] =	ssyncset.done $0x0  }
0x61: {  	s14 =	simm.s32 $0x280;
	[sflag:s29] =	ssyncadd.s32 $0xFFFFE000  }
0x62: {  	[tilespmem:s1], [sflag:$0xB] =	stream.indirect.gather [hbm4b:s5+s0], $0x40, s14, s0, $0xb8;
	[tilespmem:$0x1D400] =	vst v63  }
0x63: {  	_ =	swait.ge [sflag:s29], $0x2000  }
0x64: {  	[sflag:s29] =	ssyncset.done $0x0  }
0x65: {  	s24 =	rddreg [dreg:$0xf];
	[sflag:s29] =	ssyncadd.s32 $0xFFFFE000  }
0x66: {  	[hbm4b:s24+s23] =	stream.linear.scatter [tilespmem:s1], [sflag:$0xB], $0x2000, $0x38;
	[tilespmem:$0x1D400] =	vst v63  }
0x67: {  	_ =	swait.ge [sflag:s29], $0x2000  }
0x68: {  	[sflag:s29] =	ssyncset.done $0x0  }
0x69: {  	s25 =	simm.s32 $0x100;
	[sflag:s29] =	ssyncadd.s32 $0xFFFFE000  }
0x6a: {  	[tilespmem:s31], [sflag:$0xB] =	stream.indirect.gather [hbm4b:s4+s0], $0x40, s25, s0, $0xb8;
	[tilespmem:$0x1D400] =	vst v63  }
0x6b: {  	_ =	swait.ge [sflag:s29], $0x2000  }
0x6c: {  	[sflag:s29] =	ssyncset.done $0x0  }
0x6d: {  	s14 =	rddreg [dreg:$0x10];
	[sflag:s29] =	ssyncadd.s32 $0xFFFFE000  }
0x6e: {  	[hbm4b:s14+s23] =	stream.linear.scatter [tilespmem:s31], [sflag:$0xB], $0x2000, $0x38;
	[tilespmem:$0x1D400] =	vst v63  }
0x6f: {  	_ =	swait.ge [sflag:s29], $0x2000  }
0x70: {  	[sflag:s29] =	ssyncset.done $0x0  }
0x71: {  	s24 =	simm.s32 $0x300;
	[sflag:s29] =	ssyncadd.s32 $0xFFFFE000  }
0x72: {  	[tilespmem:s1], [sflag:$0xB] =	stream.indirect.gather [hbm4b:s5+s0], $0x40, s24, s0, $0xb8;
	[tilespmem:$0x1D400] =	vst v63  }
0x73: {  	_ =	swait.ge [sflag:s29], $0x2000  }
0x74: {  	[sflag:s29] =	ssyncset.done $0x0  }
0x75: {  	s25 =	rddreg [dreg:$0x11];
	[sflag:s29] =	ssyncadd.s32 $0xFFFFE000  }
0x76: {  	[hbm4b:s25+s23] =	stream.linear.scatter [tilespmem:s1], [sflag:$0xB], $0x2000, $0x38;
	[tilespmem:$0x1D400] =	vst v63  }
0x77: {  	_ =	swait.ge [sflag:s29], $0x2000  }
0x78: {  	[sflag:s29] =	ssyncset.done $0x0  }
0x79: {  	s14 =	simm.s32 $0x180;
	[sflag:s29] =	ssyncadd.s32 $0xFFFFE000  }
0x7a: {  	[tilespmem:s31], [sflag:$0xB] =	stream.indirect.gather [hbm4b:s4+s0], $0x40, s14, s0, $0xb8;
	[tilespmem:$0x1D400] =	vst v63  }
0x7b: {  	_ =	swait.ge [sflag:s29], $0x2000  }
0x7c: {  	[sflag:s29] =	ssyncset.done $0x0  }
0x7d: {  	s24 =	rddreg [dreg:$0x12];
	[sflag:s29] =	ssyncadd.s32 $0xFFFFE000  }
0x7e: {  	[hbm4b:s24+s23] =	stream.linear.scatter [tilespmem:s31], [sflag:$0xB], $0x2000, $0x38;
	[tilespmem:$0x1D400] =	vst v63  }
0x7f: {  	_ =	swait.ge [sflag:s29], $0x2000  }
0x80: {  	[sflag:s29] =	ssyncset.done $0x0  }
0x81: {  	s25 =	simm.s32 $0x380;
	[sflag:s29] =	ssyncadd.s32 $0xFFFFE000  }
0x82: {  	[tilespmem:s1], [sflag:$0xB] =	stream.indirect.gather [hbm4b:s5+s0], $0x40, s25, s0, $0xb8;
	[tilespmem:$0x1D400] =	vst v63  }
0x83: {  	_ =	swait.ge [sflag:s29], $0x2000  }
0x84: {  	[sflag:s29] =	ssyncset.done $0x0  }
0x85: {  	s14 =	rddreg [dreg:$0x13];
	[sflag:s29] =	ssyncadd.s32 $0xFFFFE000  }
0x86: {  	[hbm4b:s14+s23] =	stream.linear.scatter [tilespmem:s1], [sflag:$0xB], $0x2000, $0x38;
	[tilespmem:$0x1D400] =	vst v63  }
0x87: {  	_ =	swait.ge [sflag:s29], $0x2000  }
0x88: {  	[sflag:s29] =	ssyncset.done $0x0  }
0x89: {  	s24 =	simm.s32 $0x400;
	[sflag:s29] =	ssyncadd.s32 $0xFFFFE000  }
0x8a: {  	[tilespmem:s7], [sflag:$0x1] =	stream.indirect.gather [hbm4b:s5+s0], $0x40, s24, s0, $0xb8;
	[tilespmem:$0x1D400] =	vst v63  }
0x8b: {  	s25 =	simm.s32 $0x480  }
0x8c: {  	[tilespmem:s8], [sflag:$0x2] =	stream.indirect.gather [hbm4b:s5+s0], $0x40, s25, s0, $0xb8;
	[tilespmem:$0x1D400] =	vst v63  }
0x8d: {  	s14 =	simm.s32 $0x500  }
0x8e: {  	[tilespmem:s9], [sflag:$0x3] =	stream.indirect.gather [hbm4b:s5+s0], $0x40, s14, s0, $0xb8;
	[tilespmem:$0x1D400] =	vst v63  }
0x8f: {  	s23 =	simm.s32 $0x580  }
0x90: {  	[tilespmem:s10], [sflag:$0x4] =	stream.indirect.gather [hbm4b:s5+s0], $0x40, s23, s0, $0xb8;
	[tilespmem:$0x1D400] =	vst v63  }
0x91: {  	s24 =	simm.s32 $0x600  }
0x92: {  	[tilespmem:s11], [sflag:$0x5] =	stream.indirect.gather [hbm4b:s5+s0], $0x40, s24, s0, $0xb8;
	[tilespmem:$0x1D400] =	vst v63  }
0x93: {  	_ =	swait.ge [sflag:s12], $0x2000  }
0x94: {  	[sflag:s12] =	ssyncset.done $0x0  }
0x95: {  	s25 =	simm.s32 $0x2C00;
	[sflag:s12] =	ssyncadd.s32 $0xFFFFE000  }
0x96: {  	[spmem:s2] =	stream.indirect.scatter.add.f32 [tilespmem:s7], [sflag:$0x6], $0x40, s25, s0, $0xb8;
	[tilespmem:$0x1D400] =	vst v63  }
0x97: {  	_ =	swait.ge [sflag:s15], $0x2000  }
0x98: {  	[sflag:s15] =	ssyncset.done $0x0  }
0x99: {  	s14 =	simm.s32 $0x2C80;
	[sflag:s15] =	ssyncadd.s32 $0xFFFFE000  }
0x9a: {  	[spmem:s2] =	stream.indirect.scatter.add.f32 [tilespmem:s8], [sflag:$0x7], $0x40, s14, s0, $0xb8;
	[tilespmem:$0x1D400] =	vst v63  }
0x9b: {  	_ =	swait.ge [sflag:s16], $0x2000  }
0x9c: {  	[sflag:s16] =	ssyncset.done $0x0  }
0x9d: {  	s23 =	simm.s32 $0x2D00;
	[sflag:s16] =	ssyncadd.s32 $0xFFFFE000  }
0x9e: {  	[spmem:s2] =	stream.indirect.scatter.add.f32 [tilespmem:s9], [sflag:$0x8], $0x40, s23, s0, $0xb8;
	[tilespmem:$0x1D400] =	vst v63  }
0x9f: {  	_ =	swait.ge [sflag:s17], $0x2000  }
0xa0: {  	[sflag:s17] =	ssyncset.done $0x0  }
0xa1: {  	s24 =	simm.s32 $0x2D80;
	[sflag:s17] =	ssyncadd.s32 $0xFFFFE000  }
0xa2: {  	[spmem:s2] =	stream.indirect.scatter.add.f32 [tilespmem:s10], [sflag:$0x9], $0x40, s24, s0, $0xb8;
	[tilespmem:$0x1D400] =	vst v63  }
0xa3: {  	_ =	swait.ge [sflag:s18], $0x2000  }
0xa4: {  	[sflag:s18] =	ssyncset.done $0x0  }
0xa5: {  	s25 =	simm.s32 $0x2E00;
	[sflag:s18] =	ssyncadd.s32 $0xFFFFE000  }
0xa6: {  	[spmem:s2] =	stream.indirect.scatter.add.f32 [tilespmem:s11], [sflag:$0xA], $0x40, s25, s0, $0xb8;
	[tilespmem:$0x1D400] =	vst v63  }
0xa7: {  	_ =	swait.ge [sflag:s19], $0x2000  }
0xa8: {  	[sflag:s19] =	ssyncset.done $0x0  }
0xa9: {  	[sflag:s19] =	ssyncadd.s32 $0xFFFFE000  }
0xaa: {  	_ =	swait.ge [sflag:s20], $0x2000  }
0xab: {  	[sflag:s20] =	ssyncset.done $0x0  }
0xac: {  	[sflag:s20] =	ssyncadd.s32 $0xFFFFE000  }
0xad: {  	_ =	swait.ge [sflag:s21], $0x2000  }
0xae: {  	[sflag:s21] =	ssyncset.done $0x0  }
0xaf: {  	[sflag:s21] =	ssyncadd.s32 $0xFFFFE000  }
0xb0: {  	_ =	swait.ge [sflag:s22], $0x2000  }
0xb1: {  	[sflag:s22] =	ssyncset.done $0x0  }
0xb2: {  	[sflag:s22] =	ssyncadd.s32 $0xFFFFE000  }
0xb3: {  	_ =	swait.ge [sflag:s30], $0x2000  }
0xb4: {  	s23 =	simm.s32 $0x280;
	s24 =	simm.s32 $0x1400;
	[sflag:s30] =	ssyncset.done $0x0  }
.LBB2_4:
0xb5: {  	s14 =	sadd.s32 $0x400, s23  }
0xb6: {  	[sflag:s30] =	ssyncadd.s32 $0xFFFFE000;
	s25 =	smov.u32 s24;
	s13 =	sadd.s32 $0xA00, s24  }
0xb7: {  	[tilespmem:s7], [sflag:$0x1] =	stream.indirect.gather [hbm4b:s5+s0], $0x40, s14, s0, $0xb8;
	[tilespmem:$0x1D400] =	vst v63  }
0xb8: {  	p0 =	sne.s32 s24, $0x9600;
	s14 =	sadd.s32 $0x480, s23  }
0xb9: {  	[tilespmem:s8], [sflag:$0x2] =	stream.indirect.gather [hbm4b:s5+s0], $0x40, s14, s0, $0xb8;
	[tilespmem:$0x1D400] =	vst v63  }
0xba: {  	s14 =	sadd.s32 $0x500, s23  }
0xbb: {  	[tilespmem:s9], [sflag:$0x3] =	stream.indirect.gather [hbm4b:s5+s0], $0x40, s14, s0, $0xb8;
	[tilespmem:$0x1D400] =	vst v63  }
0xbc: {  	s14 =	sadd.s32 $0x580, s23  }
0xbd: {  	[tilespmem:s10], [sflag:$0x4] =	stream.indirect.gather [hbm4b:s5+s0], $0x40, s14, s0, $0xb8;
	[tilespmem:$0x1D400] =	vst v63  }
0xbe: {  	s14 =	sadd.s32 $0x600, s23  }
0xbf: {  	[tilespmem:s11], [sflag:$0x5] =	stream.indirect.gather [hbm4b:s5+s0], $0x40, s14, s0, $0xb8;
	[tilespmem:$0x1D400] =	vst v63  }
0xc0: {  	_ =	swait.ge [sflag:s12], $0x2000  }
0xc1: {  	[sflag:s12] =	ssyncset.done $0x0  }
0xc2: {  	s14 =	sadd.s32 $0x2C00, s23;
	[sflag:s12] =	ssyncadd.s32 $0xFFFFE000  }
0xc3: {  	[spmem:s2] =	stream.indirect.scatter.add.f32 [tilespmem:s7], [sflag:$0x6], $0x40, s14, s0, $0xb8;
	[tilespmem:$0x1D400] =	vst v63  }
0xc4: {  	_ =	swait.ge [sflag:s15], $0x2000  }
0xc5: {  	[sflag:s15] =	ssyncset.done $0x0  }
0xc6: {  	s14 =	sadd.s32 $0x2C80, s23;
	[sflag:s15] =	ssyncadd.s32 $0xFFFFE000  }
0xc7: {  	[spmem:s2] =	stream.indirect.scatter.add.f32 [tilespmem:s8], [sflag:$0x7], $0x40, s14, s0, $0xb8;
	[tilespmem:$0x1D400] =	vst v63  }
0xc8: {  	_ =	swait.ge [sflag:s16], $0x2000  }
0xc9: {  	[sflag:s16] =	ssyncset.done $0x0  }
0xca: {  	s14 =	sadd.s32 $0x2D00, s23;
	[sflag:s16] =	ssyncadd.s32 $0xFFFFE000  }
0xcb: {  	[spmem:s2] =	stream.indirect.scatter.add.f32 [tilespmem:s9], [sflag:$0x8], $0x40, s14, s0, $0xb8;
	[tilespmem:$0x1D400] =	vst v63  }
0xcc: {  	_ =	swait.ge [sflag:s17], $0x2000  }
0xcd: {  	[sflag:s17] =	ssyncset.done $0x0  }
0xce: {  	s14 =	sadd.s32 $0x2D80, s23;
	[sflag:s17] =	ssyncadd.s32 $0xFFFFE000  }
0xcf: {  	[spmem:s2] =	stream.indirect.scatter.add.f32 [tilespmem:s10], [sflag:$0x9], $0x40, s14, s0, $0xb8;
	[tilespmem:$0x1D400] =	vst v63  }
0xd0: {  	_ =	swait.ge [sflag:s18], $0x2000  }
0xd1: {  	[sflag:s18] =	ssyncset.done $0x0  }
0xd2: {  	s14 =	sadd.s32 $0x2E00, s23;
	[sflag:s18] =	ssyncadd.s32 $0xFFFFE000  }
0xd3: {  	[spmem:s2] =	stream.indirect.scatter.add.f32 [tilespmem:s11], [sflag:$0xA], $0x40, s14, s0, $0xb8;
	[tilespmem:$0x1D400] =	vst v63  }
0xd4: {  	_ =	swait.ge [sflag:s19], $0x2000  }
0xd5: {  	[sflag:s19] =	ssyncset.done $0x0  }
0xd6: {  	[sflag:s19] =	ssyncadd.s32 $0xFFFFE000  }
0xd7: {  	_ =	swait.ge [sflag:s20], $0x2000  }
0xd8: {  	[sflag:s20] =	ssyncset.done $0x0  }
0xd9: {  	[sflag:s20] =	ssyncadd.s32 $0xFFFFE000  }
0xda: {  	_ =	swait.ge [sflag:s21], $0x2000  }
0xdb: {  	[sflag:s21] =	ssyncset.done $0x0  }
0xdc: {  	[sflag:s21] =	ssyncadd.s32 $0xFFFFE000  }
.Ltmp1:
0xdd: {  	_ =	swait.ge [sflag:s22], $0x2000;
	(pc) =	sbr.rel @p0 .LBB2_4-.Ltmp1, $4  }
0xde: {  	[sflag:s22] =	ssyncset.done $0x0  }
0xdf: {  	[sflag:s22] =	ssyncadd.s32 $0xFFFFE000  }
0xe0: {  	_ =	swait.ge [sflag:s30], $0x2000  }
0xe1: {  	s24 =	smov.u32 s13;
	s23 =	sshra.s32 s25, $0x2;
	[sflag:s30] =	ssyncset.done $0x0  }
0xe2: {  	s13 =	sadd.s32 $0x400, s23;
	[sflag:s30] =	ssyncadd.s32 $0xFFFFE000  }
0xe3: {  	[tilespmem:s7], [sflag:$0x1] =	stream.indirect.gather [hbm4b:s5+s0], $0x40, s13, s0, $0xb8;
	[tilespmem:$0x1D400] =	vst v63  }
0xe4: {  	s25 =	sadd.s32 $0x480, s23  }
0xe5: {  	[tilespmem:s8], [sflag:$0x2] =	stream.indirect.gather [hbm4b:s5+s0], $0x40, s25, s0, $0xb8;
	[tilespmem:$0x1D400] =	vst v63  }
0xe6: {  	s14 =	sadd.s32 $0x500, s23  }
0xe7: {  	[tilespmem:s9], [sflag:$0x3] =	stream.indirect.gather [hbm4b:s5+s0], $0x40, s14, s0, $0xb8;
	[tilespmem:$0x1D400] =	vst v63  }
0xe8: {  	s24 =	sadd.s32 $0x580, s23  }
0xe9: {  	[tilespmem:s10], [sflag:$0x4] =	stream.indirect.gather [hbm4b:s5+s0], $0x40, s24, s0, $0xb8;
	[tilespmem:$0x1D400] =	vst v63  }
0xea: {  	s25 =	sadd.s32 $0x600, s23  }
0xeb: {  	[tilespmem:s11], [sflag:$0x5] =	stream.indirect.gather [hbm4b:s5+s0], $0x40, s25, s0, $0xb8;
	[tilespmem:$0x1D400] =	vst v63  }
0xec: {  	_ =	swait.ge [sflag:s12], $0x2000  }
0xed: {  	[sflag:s12] =	ssyncset.done $0x0  }
0xee: {  	s14 =	sadd.s32 $0x2C00, s23;
	[sflag:s12] =	ssyncadd.s32 $0xFFFFE000  }
0xef: {  	[spmem:s2] =	stream.indirect.scatter.add.f32 [tilespmem:s7], [sflag:$0x6], $0x40, s14, s0, $0xb8;
	[tilespmem:$0x1D400] =	vst v63  }
0xf0: {  	_ =	swait.ge [sflag:s15], $0x2000  }
0xf1: {  	[sflag:s15] =	ssyncset.done $0x0  }
0xf2: {  	s24 =	sadd.s32 $0x2C80, s23;
	[sflag:s15] =	ssyncadd.s32 $0xFFFFE000  }
0xf3: {  	[spmem:s2] =	stream.indirect.scatter.add.f32 [tilespmem:s8], [sflag:$0x7], $0x40, s24, s0, $0xb8;
	[tilespmem:$0x1D400] =	vst v63  }
0xf4: {  	_ =	swait.ge [sflag:s16], $0x2000  }
0xf5: {  	[sflag:s16] =	ssyncset.done $0x0  }
0xf6: {  	s25 =	sadd.s32 $0x2D00, s23;
	[sflag:s16] =	ssyncadd.s32 $0xFFFFE000  }
0xf7: {  	[spmem:s2] =	stream.indirect.scatter.add.f32 [tilespmem:s9], [sflag:$0x8], $0x40, s25, s0, $0xb8;
	[tilespmem:$0x1D400] =	vst v63  }
0xf8: {  	_ =	swait.ge [sflag:s17], $0x2000  }
0xf9: {  	[sflag:s17] =	ssyncset.done $0x0  }
0xfa: {  	s14 =	sadd.s32 $0x2D80, s23;
	[sflag:s17] =	ssyncadd.s32 $0xFFFFE000  }
0xfb: {  	[spmem:s2] =	stream.indirect.scatter.add.f32 [tilespmem:s10], [sflag:$0x9], $0x40, s14, s0, $0xb8;
	[tilespmem:$0x1D400] =	vst v63  }
0xfc: {  	_ =	swait.ge [sflag:s18], $0x2000  }
0xfd: {  	[sflag:s18] =	ssyncset.done $0x0  }
0xfe: {  	s23 =	sadd.s32 $0x2E00, s23;
	[sflag:s18] =	ssyncadd.s32 $0xFFFFE000  }
0xff: {  	[spmem:s2] =	stream.indirect.scatter.add.f32 [tilespmem:s11], [sflag:$0xA], $0x40, s23, s0, $0xb8;
	[tilespmem:$0x1D400] =	vst v63  }
0x100: {  	_ =	swait.ge [sflag:s19], $0x2000  }
0x101: {  	[sflag:s19] =	ssyncset.done $0x0  }
0x102: {  	[sflag:s19] =	ssyncadd.s32 $0xFFFFE000  }
0x103: {  	_ =	swait.ge [sflag:s20], $0x2000  }
0x104: {  	[sflag:s20] =	ssyncset.done $0x0  }
0x105: {  	[sflag:s20] =	ssyncadd.s32 $0xFFFFE000  }
0x106: {  	_ =	swait.ge [sflag:s21], $0x2000  }
0x107: {  	[sflag:s21] =	ssyncset.done $0x0  }
0x108: {  	[sflag:s21] =	ssyncadd.s32 $0xFFFFE000  }
0x109: {  	_ =	swait.ge [sflag:s22], $0x2000  }
0x10a: {  	[sflag:s22] =	ssyncset.done $0x0  }
0x10b: {  	s24 =	stileid.u32;
	[sflag:s22] =	ssyncadd.s32 $0xFFFFE000  }
0x10c: {  	s13 =	sshll.u32 s24, $0x6;
	_ =	swait.ge [sflag:s30], $0x2000  }
0x10d: {  	s13 =	sor.u32 $0x1C0B, s13;
	[sflag:s30] =	ssyncset.done $0x0  }
0x10e: {  	s14 =	sshrl.u32 s28, $0x3;
	s25 =	rddreg [dreg:$0x9];
	[sflag:s30] =	ssyncadd.s32 $0xFFFFE000  }
0x10f: {  	[hbm:s25], [sflag:s13] =	dma.local [spmem:s14], $0x400  }
0x110: {  	_ =	swait.ge [sflag:s29], $0x400  }
0x111: {  	[sflag:s29] =	ssyncset.done $0x0  }
0x112: {  	s23 =	sshrl.u32 s6, $0x3;
	s24 =	rddreg [dreg:$0x14];
	[sflag:s29] =	ssyncadd.s32 $0xFFFFFC00  }
0x113: {  	[hbm:s24], [sflag:s13] =	dma.local [spmem:s23], $0x400  }
0x114: {  	_ =	swait.ge [sflag:s29], $0x400  }
0x115: {  	[sflag:s29] =	ssyncset.done $0x0;
	s14 =	rddreg [dreg:$0xb]  }
0x116: {  	s24 =	rddreg [dreg:$0x15];
	[sflag:s29] =	ssyncadd.s32 $0xFFFFFC00;
	s23 =	sshrl.u32 s14, $0x3  }
0x117: {  	[hbm:s24], [sflag:s13] =	dma.local [spmem:s23], $0x400  }
0x118: {  	_ =	swait.ge [sflag:s29], $0x400  }
0x119: {  	s25 =	smov.u32 s6;
	[sflag:s29] =	ssyncset.done $0x0  }
0x11a: {  	s6 =	sshrl.u32 s26, $0x3;
	s23 =	rddreg [dreg:$0x16];
	[sflag:s29] =	ssyncadd.s32 $0xFFFFFC00  }
0x11b: {  	[hbm:s23], [sflag:s13] =	dma.local [spmem:s6], $0x400  }
0x11c: {  	_ =	swait.ge [sflag:s29], $0x400  }
0x11d: {  	s3 =	sadd.s32 $0x1, s3;
	s24 =	rddreg [dreg:$0xa]  }
0x11e: {  	p0 =	sne.s32 s3, s24  }
.Ltmp2:
0x11f: {  	_ = 	snop;
	(pc) =	sbr.rel @p0 .LBB2_1-.Ltmp2, $3  }
0x120: {  	_ =	sdelay $0x1  }
0x121: {  	[sflag:s29] =	ssyncset.done $0x0  }
0x122: {  	[sflag:s29] =	ssyncadd.s32 $0xFFFFFC00  }
0x123: {  	_ =	sfence.sel $0x180000  }
0x124: {  	[bflag:$0x0] =	sbarrier.arrive $0xFFFF  }
0x125: {  	_ =	strace $0x90000047  }
0x126: {  	s0 =	stileid.u32;
	[bflag:$0x2] =	sbarrier.arrive $0xFFFF  }
0x127: {  	p0 =	sne.s32 s0, $0x0;
	s0 =	rddreg [dreg:$0x4]  }
0x128: {  	s0 =	sadd.s32 @!p0 $0x100000, s0  }
0x129: {  	[sflag:s0] =	ssyncadd.tile.s32 @!p0 $0x1;
	_ =	shalt  }
.Lfunc_end2:
_tile_overlayer_lowered:
.L_overlay_start_2:
0x12a: {  	(tag) =	ssettag $0x2  }
0x12b: {  	s0 =	rddreg [dreg:$0x0];
	s2 =	stileid.u32  }
0x12c: {  	s1 =	rddreg [dreg:$0x1];
	p0 =	sne.s32 s2, $0x0  }
0x12d: {  	s3 =	rddreg [dreg:$0x2];
	[bflag:$0x3] =	sbarrier.arrive $0xFFFF;
	s2 =	simm.s32 @!p0 $0x1C0B  }
0x12e: {  	[timem:s3], [sflag:s2] =	dma.local @!p0 [hbm:s0], s1  }
0x12f: {  	s0 =	simm.s32 @!p0 $0xB  }
0x130: {  	_ =	swait.ge @!p0 [sflag:s0], s1  }
0x131: {  	s1 =	ssub.s32 @!p0 $0x0, s1;
	[sflag:s0] =	ssyncset.done @!p0 $0x0  }
0x132: {  	[sflag:s0] =	ssyncadd.s32 @!p0 s1  }
0x133: {  	[bflag:$0x3] =	sbarrier.arrive $0xFFFF  }
0x134: {  	_ =	shalt  }

</sc_bundles>
